<compile_context>
chip_gen: v7x
topology: tpu7x:2x2x1
jax: 0.10.2.dev20260603
libtpu: 0.0.44.dev20260713+nightly
codegen_flags: <defaults>
</compile_context>

<pallas_src>
import functools

import jax
import jax.numpy as jnp
from jax import lax
from jax.experimental import pallas as pl
from jax.experimental.pallas import tpu as pltpu
from jax.experimental.pallas import tpu_sc as plsc

VOCAB = 1000000
EMB = 64
HID = 128
OUT = 2
L, B = 200, 4096

NC, NS = 2, 16
NW = NC * NS
BPW = B // NW
LANES = 16
INV_L = 1.0 / L

CBLK = 32768
PU = CBLK
HU = PU // 2
TGRID = (VOCAB + CBLK - 1) // CBLK
PACK_ROWS = TGRID * (CBLK // 2)
PACK_V = PACK_ROWS * 2


def _tpack_body(a_ref, o_ref):
    a = a_ref[...]
    c = jnp.concatenate([a[:, : CBLK // 2], a[:, CBLK // 2 :]], axis=0)
    o_ref[...] = c.T


_tpack = pl.pallas_call(
    _tpack_body,
    grid=(TGRID,),
    in_specs=[pl.BlockSpec((EMB, CBLK), lambda i: (0, i))],
    out_specs=pl.BlockSpec((CBLK // 2, 2 * EMB), lambda i: (i, 0)),
    out_shape=jax.ShapeDtypeStruct((PACK_ROWS, 2 * EMB), jnp.float32),
)


RING = 4


def _mean_pool_body(x_hbm, tab_hbm, m_hbm, idx_v, rows_v, acc_v, *sems):
    wid = lax.axis_index("s") * NC + lax.axis_index("c")
    base = wid * BPW

    pltpu.sync_copy(x_hbm.at[:, pl.ds(base, BPW)], idx_v)

    def remap(l, carry):
        for c in range(BPW // LANES):
            sl = pl.ds(c * LANES, LANES)
            v = idx_v[l, sl]
            q = v & (PU - 1)
            idx_v[l, sl] = v + q + jnp.where(q >= HU, 1 - PU, 0)
        return carry

    lax.fori_loop(0, L, remap, 0)

    def issue(l, s):
        pltpu.async_copy(tab_hbm.at[idx_v.at[l]], rows_v.at[s], sems[s])

    def drain(s):
        pltpu.make_async_copy(tab_hbm.at[pl.ds(0, BPW)],
                              rows_v.at[s], sems[s]).wait()

    def zero(r, carry):
        for c in range(EMB // LANES):
            acc_v[r, pl.ds(c * LANES, LANES)] = jnp.zeros((LANES,),
                                                          jnp.float32)
        return carry

    lax.fori_loop(0, BPW, zero, 0)

    for s in range(RING):
        issue(s, s)

    def outer(i, carry):
        for s in range(RING):
            l = i * RING + s
            drain(s)

            def red(r, carry2):
                for c in range(EMB // LANES):
                    plsc.addupdate(acc_v.at[r, pl.ds(c * LANES, LANES)],
                                   rows_v[s, r, pl.ds(c * LANES, LANES)])
                return carry2

            lax.fori_loop(0, BPW, red, 0)

            nl = l + RING

            @pl.when(nl < L)
            def _():
                issue(nl, s)
        return carry

    lax.fori_loop(0, L // RING, outer, 0)

    def scale(r, carry):
        for c in range(EMB // LANES):
            sl = pl.ds(c * LANES, LANES)
            acc_v[r, sl] = acc_v[r, sl] * INV_L
        return carry

    lax.fori_loop(0, BPW, scale, 0)
    pltpu.sync_copy(acc_v, m_hbm.at[pl.ds(base, BPW)])


@functools.partial(
    pl.kernel,
    out_type=jax.ShapeDtypeStruct((B, EMB), jnp.float32),
    mesh=plsc.VectorSubcoreMesh(core_axis_name="c", subcore_axis_name="s"),
    scratch_types=[
        pltpu.VMEM((L, BPW), jnp.int32),
        pltpu.VMEM((RING, BPW, EMB), jnp.float32),
        pltpu.VMEM((BPW, EMB), jnp.float32),
    ] + [pltpu.SemaphoreType.DMA] * RING,
    compiler_params=pltpu.CompilerParams(use_tc_tiling_on_sc=False),
)
def _mean_pool(x_hbm, tab_hbm, m_hbm, idx_v, rows_v, acc_v, *sems):
    _mean_pool_body(x_hbm, tab_hbm, m_hbm, idx_v, rows_v, acc_v, *sems)


def _mlp_body(m_ref, w1_ref, b1_ref, w2_ref, b2_ref, o_ref):
    h = jnp.dot(m_ref[...], w1_ref[...], preferred_element_type=jnp.float32)
    h = jnp.maximum(h + b1_ref[...], 0.0)
    o_ref[...] = jnp.dot(h, w2_ref[...],
                         preferred_element_type=jnp.float32) + b2_ref[...]


_mlp = pl.pallas_call(
    _mlp_body,
    out_shape=jax.ShapeDtypeStruct((B, OUT), jnp.float32),
)


def kernel(x, emb, W1, b1, W2, b2):
    packed = _tpack(emb.T)
    tab = packed.reshape(PACK_V, EMB)
    m = _mean_pool(x, tab)
    return _mlp(m, W1, b1.reshape(1, HID), W2, b2.reshape(1, OUT))

# --- scband reference (transcript-rebuilt; emitter-appended) ---
"""Pipeline reference for scband-swemwith-embeddings-4277787427162 (READ-ONLY COPY).

The authoritative reference and input builder live on the scoring server;
editing this copy changes nothing except your own understanding.
"""

import jax, jax.numpy as jnp
import numpy as np

VOCAB = 1000000
EMB = 64
HID = 128
OUT = 2
L, B = 200, 4096

def setup_inputs(seed: int = 0) -> dict:
    key = jax.random.key(seed)
    k_x, k_emb, k_w1, k_b1, k_w2, k_b2 = jax.random.split(key, 6)
    x = jax.random.randint(k_x, (L, B), 0, VOCAB, dtype=jnp.int64 if jax.config.jax_enable_x64 else jnp.int32).astype(jnp.int32)
    emb = jax.random.normal(k_emb, (VOCAB, EMB), dtype=jnp.float32) * 0.02
    W1 = jax.random.normal(k_w1, (EMB, HID), dtype=jnp.float32) * (1.0 / np.sqrt(EMB))
    b1 = jax.random.normal(k_b1, (HID,), dtype=jnp.float32) * 0.01
    W2 = jax.random.normal(k_w2, (HID, OUT), dtype=jnp.float32) * (1.0 / np.sqrt(HID))
    b2 = jax.random.normal(k_b2, (OUT,), dtype=jnp.float32) * 0.01
    return {"x": x, "emb": emb, "W1": W1, "b1": b1, "W2": W2, "b2": b2}

def reference(x, emb, W1, b1, W2, b2):
    # embedding lookup: [L, B] -> [L, B, EMB]
    e = jnp.take(emb, x, axis=0)
    # mean over dim 0 (sequence): [B, EMB]
    m = jnp.mean(e, axis=0)
    # fc1 + relu
    h = jax.nn.relu(m @ W1 + b1)
    # fc2
    out = h @ W2 + b2
    return out

if __name__ == "__main__":
    import jax
    _d = setup_inputs()
    print(jax.jit(kernel)(*tuple(_d.values())))

</pallas_src>

<mosaic_0001>
#map = affine_map<(d0, d1) -> (0, 0)>
module attributes {stable_mosaic.version = 14 : i64} {
  func.func @_mean_pool(%arg0: i32, %arg1: i32, %arg2: memref<200x4096xi32, #tpu.memory_space<hbm>>, %arg3: memref<1015808x64xf32, #tpu.memory_space<hbm>>, %arg4: memref<4096x64xf32, #tpu.memory_space<hbm>>, %arg5: memref<200x128xi32, #tpu.memory_space<vmem>>, %arg6: memref<4x128x64xf32, #tpu.memory_space<vmem>>, %arg7: memref<128x64xf32, #tpu.memory_space<vmem>>, %arg8: memref<!tpu.dma_semaphore, #tpu.memory_space<semaphore_mem>>, %arg9: memref<!tpu.dma_semaphore, #tpu.memory_space<semaphore_mem>>, %arg10: memref<!tpu.dma_semaphore, #tpu.memory_space<semaphore_mem>>, %arg11: memref<!tpu.dma_semaphore, #tpu.memory_space<semaphore_mem>>) attributes {dimension_semantics = [#tpu.dimension_semantics<core_parallel>, #tpu.dimension_semantics<subcore_parallel>], iteration_bounds = array<i64: 2, 16>, scalar_prefetch = 0 : i64, scratch_operands = 7 : i64, tpu.core_type = #tpu.core_type<sc_vector_subcore>, window_params = [{transform_indices = #map}, {transform_indices = #map}, {transform_indices = #map}]} {
    %mul3A = arith.constant 2 : i32
    %mul3A_0 = arith.muli %arg1, %mul3A : i32
    %add3A = arith.addi %mul3A_0, %arg0 : i32
    %mul3A_1 = arith.constant 128 : i32
    %mul3A_2 = arith.muli %add3A, %mul3A_1 : i32
    "tpu.region"() ({
      %run_scoped3A = tpu.sem_alloc : memref<!tpu.dma_semaphore, #tpu.memory_space<semaphore_mem>>
      %dma_start3A_73 = arith.constant 0 : i32
      %dma_start3A_74 = tpu.memref_slice %arg2[%dma_start3A_73, %mul3A_2] : memref<200x4096xi32, #tpu.memory_space<hbm>> -> memref<200x128xi32, #tpu.memory_space<hbm>>
      %dma_start3A_75 = arith.constant 0 : i32
      %dma_start3A_76 = tpu.memref_slice %arg2[%dma_start3A_75, %mul3A_2] : memref<200x4096xi32, #tpu.memory_space<hbm>> -> memref<200x128xi32, #tpu.memory_space<hbm>>
      tpu.enqueue_dma source(%dma_start3A_76 : memref<200x128xi32, #tpu.memory_space<hbm>>) target(%arg5 : memref<200x128xi32, #tpu.memory_space<vmem>>) target_semaphore(%run_scoped3A : memref<!tpu.dma_semaphore, #tpu.memory_space<semaphore_mem>>)
      %dma_wait3A = arith.constant 0 : i32
      %dma_wait3A_77 = tpu.memref_slice %arg2[%dma_wait3A, %mul3A_2] : memref<200x4096xi32, #tpu.memory_space<hbm>> -> memref<200x128xi32, #tpu.memory_space<hbm>>
      %dma_wait3A_78 = arith.constant 0 : i32
      %dma_wait3A_79 = tpu.memref_slice %arg2[%dma_wait3A_78, %mul3A_2] : memref<200x4096xi32, #tpu.memory_space<hbm>> -> memref<200x128xi32, #tpu.memory_space<hbm>>
      tpu.wait_dma2 semaphore(%run_scoped3A : memref<!tpu.dma_semaphore, #tpu.memory_space<semaphore_mem>>) src(%dma_wait3A_79 : memref<200x128xi32, #tpu.memory_space<hbm>>) dst(%arg5 : memref<200x128xi32, #tpu.memory_space<vmem>>)
      tpu.yield
    }) : () -> ()
    %scan3A = arith.constant 0 : i32
    %scan3A_3 = arith.constant 0 : i32
    %scan3A_4 = arith.constant 200 : i32
    %scan3A_5 = arith.addi %scan3A_3, %scan3A_4 : i32
    %scan3A_6 = arith.constant 1 : i32
    scf.for %scan3A_73 = %scan3A_3 to %scan3A_5 step %scan3A_6  : i32 {
      %get3A = arith.index_cast %scan3A_73 : i32 to index
      %get3A_74 = arith.constant 0 : index
      %get3A_75 = tpu.vector_load %arg5[%get3A, %get3A_74] {strides = array<i32>} : memref<200x128xi32, #tpu.memory_space<vmem>>, vector<1x16xi32>,
      %get3A_76 = vector.shape_cast %get3A_75 : vector<1x16xi32> to vector<16xi32>
      %and3A = arith.constant 32767 : i32
      %and3A_77 = vector.broadcast %and3A : i32 to vector<16xi32>
      %and3A_78 = arith.andi %get3A_76, %and3A_77 : vector<16xi32>
      %add3A_79 = arith.addi %get3A_76, %and3A_78 : vector<16xi32>
      %ge3A = arith.constant 16384 : i32
      %ge3A_80 = vector.broadcast %ge3A : i32 to vector<16xi32>
      %ge3A_81 = arith.cmpi sge, %and3A_78, %ge3A_80 : vector<16xi32>
      %jit3A = arith.constant -32767 : i32
      %jit3A_82 = arith.constant 0 : i32
      %broadcast_in_dim3A = vector.broadcast %jit3A : i32 to vector<16xi32>
      %broadcast_in_dim3A_83 = vector.broadcast %jit3A_82 : i32 to vector<16xi32>
      %select_n3A = arith.select %ge3A_81, %broadcast_in_dim3A, %broadcast_in_dim3A_83 : vector<16xi1>, vector<16xi32>
      %add3A_84 = arith.addi %add3A_79, %select_n3A : vector<16xi32>
      %swap3A = arith.index_cast %scan3A_73 : i32 to index
      %swap3A_85 = arith.constant 0 : index
      %swap3A_86 = tpu.vector_load %arg5[%swap3A, %swap3A_85] {strides = array<i32>} : memref<200x128xi32, #tpu.memory_space<vmem>>, vector<1x16xi32>,
      %swap3A_87 = vector.shape_cast %swap3A_86 : vector<1x16xi32> to vector<16xi32>
      %swap3A_88 = vector.shape_cast %add3A_84 : vector<16xi32> to vector<1x16xi32>
      tpu.vector_store %arg5[%swap3A, %swap3A_85], %swap3A_88 {strides = array<i32>} : memref<200x128xi32, #tpu.memory_space<vmem>>, vector<1x16xi32>,
      %get3A_89 = arith.index_cast %scan3A_73 : i32 to index
      %get3A_90 = arith.constant 16 : index
      %get3A_91 = tpu.vector_load %arg5[%get3A_89, %get3A_90] {strides = array<i32>} : memref<200x128xi32, #tpu.memory_space<vmem>>, vector<1x16xi32>,
      %get3A_92 = vector.shape_cast %get3A_91 : vector<1x16xi32> to vector<16xi32>
      %and3A_93 = arith.constant 32767 : i32
      %and3A_94 = vector.broadcast %and3A_93 : i32 to vector<16xi32>
      %and3A_95 = arith.andi %get3A_92, %and3A_94 : vector<16xi32>
      %add3A_96 = arith.addi %get3A_92, %and3A_95 : vector<16xi32>
      %ge3A_97 = arith.constant 16384 : i32
      %ge3A_98 = vector.broadcast %ge3A_97 : i32 to vector<16xi32>
      %ge3A_99 = arith.cmpi sge, %and3A_95, %ge3A_98 : vector<16xi32>
      %jit3A_100 = arith.constant -32767 : i32
      %jit3A_101 = arith.constant 0 : i32
      %broadcast_in_dim3A_102 = vector.broadcast %jit3A_100 : i32 to vector<16xi32>
      %broadcast_in_dim3A_103 = vector.broadcast %jit3A_101 : i32 to vector<16xi32>
      %select_n3A_104 = arith.select %ge3A_99, %broadcast_in_dim3A_102, %broadcast_in_dim3A_103 : vector<16xi1>, vector<16xi32>
      %add3A_105 = arith.addi %add3A_96, %select_n3A_104 : vector<16xi32>
      %swap3A_106 = arith.index_cast %scan3A_73 : i32 to index
      %swap3A_107 = arith.constant 16 : index
      %swap3A_108 = tpu.vector_load %arg5[%swap3A_106, %swap3A_107] {strides = array<i32>} : memref<200x128xi32, #tpu.memory_space<vmem>>, vector<1x16xi32>,
      %swap3A_109 = vector.shape_cast %swap3A_108 : vector<1x16xi32> to vector<16xi32>
      %swap3A_110 = vector.shape_cast %add3A_105 : vector<16xi32> to vector<1x16xi32>
      tpu.vector_store %arg5[%swap3A_106, %swap3A_107], %swap3A_110 {strides = array<i32>} : memref<200x128xi32, #tpu.memory_space<vmem>>, vector<1x16xi32>,
      %get3A_111 = arith.index_cast %scan3A_73 : i32 to index
      %get3A_112 = arith.constant 32 : index
      %get3A_113 = tpu.vector_load %arg5[%get3A_111, %get3A_112] {strides = array<i32>} : memref<200x128xi32, #tpu.memory_space<vmem>>, vector<1x16xi32>,
      %get3A_114 = vector.shape_cast %get3A_113 : vector<1x16xi32> to vector<16xi32>
      %and3A_115 = arith.constant 32767 : i32
      %and3A_116 = vector.broadcast %and3A_115 : i32 to vector<16xi32>
      %and3A_117 = arith.andi %get3A_114, %and3A_116 : vector<16xi32>
      %add3A_118 = arith.addi %get3A_114, %and3A_117 : vector<16xi32>
      %ge3A_119 = arith.constant 16384 : i32
      %ge3A_120 = vector.broadcast %ge3A_119 : i32 to vector<16xi32>
      %ge3A_121 = arith.cmpi sge, %and3A_117, %ge3A_120 : vector<16xi32>
      %jit3A_122 = arith.constant -32767 : i32
      %jit3A_123 = arith.constant 0 : i32
      %broadcast_in_dim3A_124 = vector.broadcast %jit3A_122 : i32 to vector<16xi32>
      %broadcast_in_dim3A_125 = vector.broadcast %jit3A_123 : i32 to vector<16xi32>
      %select_n3A_126 = arith.select %ge3A_121, %broadcast_in_dim3A_124, %broadcast_in_dim3A_125 : vector<16xi1>, vector<16xi32>
      %add3A_127 = arith.addi %add3A_118, %select_n3A_126 : vector<16xi32>
      %swap3A_128 = arith.index_cast %scan3A_73 : i32 to index
      %swap3A_129 = arith.constant 32 : index
      %swap3A_130 = tpu.vector_load %arg5[%swap3A_128, %swap3A_129] {strides = array<i32>} : memref<200x128xi32, #tpu.memory_space<vmem>>, vector<1x16xi32>,
      %swap3A_131 = vector.shape_cast %swap3A_130 : vector<1x16xi32> to vector<16xi32>
      %swap3A_132 = vector.shape_cast %add3A_127 : vector<16xi32> to vector<1x16xi32>
      tpu.vector_store %arg5[%swap3A_128, %swap3A_129], %swap3A_132 {strides = array<i32>} : memref<200x128xi32, #tpu.memory_space<vmem>>, vector<1x16xi32>,
      %get3A_133 = arith.index_cast %scan3A_73 : i32 to index
      %get3A_134 = arith.constant 48 : index
      %get3A_135 = tpu.vector_load %arg5[%get3A_133, %get3A_134] {strides = array<i32>} : memref<200x128xi32, #tpu.memory_space<vmem>>, vector<1x16xi32>,
      %get3A_136 = vector.shape_cast %get3A_135 : vector<1x16xi32> to vector<16xi32>
      %and3A_137 = arith.constant 32767 : i32
      %and3A_138 = vector.broadcast %and3A_137 : i32 to vector<16xi32>
      %and3A_139 = arith.andi %get3A_136, %and3A_138 : vector<16xi32>
      %add3A_140 = arith.addi %get3A_136, %and3A_139 : vector<16xi32>
      %ge3A_141 = arith.constant 16384 : i32
      %ge3A_142 = vector.broadcast %ge3A_141 : i32 to vector<16xi32>
      %ge3A_143 = arith.cmpi sge, %and3A_139, %ge3A_142 : vector<16xi32>
      %jit3A_144 = arith.constant -32767 : i32
      %jit3A_145 = arith.constant 0 : i32
      %broadcast_in_dim3A_146 = vector.broadcast %jit3A_144 : i32 to vector<16xi32>
      %broadcast_in_dim3A_147 = vector.broadcast %jit3A_145 : i32 to vector<16xi32>
      %select_n3A_148 = arith.select %ge3A_143, %broadcast_in_dim3A_146, %broadcast_in_dim3A_147 : vector<16xi1>, vector<16xi32>
      %add3A_149 = arith.addi %add3A_140, %select_n3A_148 : vector<16xi32>
      %swap3A_150 = arith.index_cast %scan3A_73 : i32 to index
      %swap3A_151 = arith.constant 48 : index
      %swap3A_152 = tpu.vector_load %arg5[%swap3A_150, %swap3A_151] {strides = array<i32>} : memref<200x128xi32, #tpu.memory_space<vmem>>, vector<1x16xi32>,
      %swap3A_153 = vector.shape_cast %swap3A_152 : vector<1x16xi32> to vector<16xi32>
      %swap3A_154 = vector.shape_cast %add3A_149 : vector<16xi32> to vector<1x16xi32>
      tpu.vector_store %arg5[%swap3A_150, %swap3A_151], %swap3A_154 {strides = array<i32>} : memref<200x128xi32, #tpu.memory_space<vmem>>, vector<1x16xi32>,
      %get3A_155 = arith.index_cast %scan3A_73 : i32 to index
      %get3A_156 = arith.constant 64 : index
      %get3A_157 = tpu.vector_load %arg5[%get3A_155, %get3A_156] {strides = array<i32>} : memref<200x128xi32, #tpu.memory_space<vmem>>, vector<1x16xi32>,
      %get3A_158 = vector.shape_cast %get3A_157 : vector<1x16xi32> to vector<16xi32>
      %and3A_159 = arith.constant 32767 : i32
      %and3A_160 = vector.broadcast %and3A_159 : i32 to vector<16xi32>
      %and3A_161 = arith.andi %get3A_158, %and3A_160 : vector<16xi32>
      %add3A_162 = arith.addi %get3A_158, %and3A_161 : vector<16xi32>
      %ge3A_163 = arith.constant 16384 : i32
      %ge3A_164 = vector.broadcast %ge3A_163 : i32 to vector<16xi32>
      %ge3A_165 = arith.cmpi sge, %and3A_161, %ge3A_164 : vector<16xi32>
      %jit3A_166 = arith.constant -32767 : i32
      %jit3A_167 = arith.constant 0 : i32
      %broadcast_in_dim3A_168 = vector.broadcast %jit3A_166 : i32 to vector<16xi32>
      %broadcast_in_dim3A_169 = vector.broadcast %jit3A_167 : i32 to vector<16xi32>
      %select_n3A_170 = arith.select %ge3A_165, %broadcast_in_dim3A_168, %broadcast_in_dim3A_169 : vector<16xi1>, vector<16xi32>
      %add3A_171 = arith.addi %add3A_162, %select_n3A_170 : vector<16xi32>
      %swap3A_172 = arith.index_cast %scan3A_73 : i32 to index
      %swap3A_173 = arith.constant 64 : index
      %swap3A_174 = tpu.vector_load %arg5[%swap3A_172, %swap3A_173] {strides = array<i32>} : memref<200x128xi32, #tpu.memory_space<vmem>>, vector<1x16xi32>,
      %swap3A_175 = vector.shape_cast %swap3A_174 : vector<1x16xi32> to vector<16xi32>
      %swap3A_176 = vector.shape_cast %add3A_171 : vector<16xi32> to vector<1x16xi32>
      tpu.vector_store %arg5[%swap3A_172, %swap3A_173], %swap3A_176 {strides = array<i32>} : memref<200x128xi32, #tpu.memory_space<vmem>>, vector<1x16xi32>,
      %get3A_177 = arith.index_cast %scan3A_73 : i32 to index
      %get3A_178 = arith.constant 80 : index
      %get3A_179 = tpu.vector_load %arg5[%get3A_177, %get3A_178] {strides = array<i32>} : memref<200x128xi32, #tpu.memory_space<vmem>>, vector<1x16xi32>,
      %get3A_180 = vector.shape_cast %get3A_179 : vector<1x16xi32> to vector<16xi32>
      %and3A_181 = arith.constant 32767 : i32
      %and3A_182 = vector.broadcast %and3A_181 : i32 to vector<16xi32>
      %and3A_183 = arith.andi %get3A_180, %and3A_182 : vector<16xi32>
      %add3A_184 = arith.addi %get3A_180, %and3A_183 : vector<16xi32>
      %ge3A_185 = arith.constant 16384 : i32
      %ge3A_186 = vector.broadcast %ge3A_185 : i32 to vector<16xi32>
      %ge3A_187 = arith.cmpi sge, %and3A_183, %ge3A_186 : vector<16xi32>
      %jit3A_188 = arith.constant -32767 : i32
      %jit3A_189 = arith.constant 0 : i32
      %broadcast_in_dim3A_190 = vector.broadcast %jit3A_188 : i32 to vector<16xi32>
      %broadcast_in_dim3A_191 = vector.broadcast %jit3A_189 : i32 to vector<16xi32>
      %select_n3A_192 = arith.select %ge3A_187, %broadcast_in_dim3A_190, %broadcast_in_dim3A_191 : vector<16xi1>, vector<16xi32>
      %add3A_193 = arith.addi %add3A_184, %select_n3A_192 : vector<16xi32>
      %swap3A_194 = arith.index_cast %scan3A_73 : i32 to index
      %swap3A_195 = arith.constant 80 : index
      %swap3A_196 = tpu.vector_load %arg5[%swap3A_194, %swap3A_195] {strides = array<i32>} : memref<200x128xi32, #tpu.memory_space<vmem>>, vector<1x16xi32>,
      %swap3A_197 = vector.shape_cast %swap3A_196 : vector<1x16xi32> to vector<16xi32>
      %swap3A_198 = vector.shape_cast %add3A_193 : vector<16xi32> to vector<1x16xi32>
      tpu.vector_store %arg5[%swap3A_194, %swap3A_195], %swap3A_198 {strides = array<i32>} : memref<200x128xi32, #tpu.memory_space<vmem>>, vector<1x16xi32>,
      %get3A_199 = arith.index_cast %scan3A_73 : i32 to index
      %get3A_200 = arith.constant 96 : index
      %get3A_201 = tpu.vector_load %arg5[%get3A_199, %get3A_200] {strides = array<i32>} : memref<200x128xi32, #tpu.memory_space<vmem>>, vector<1x16xi32>,
      %get3A_202 = vector.shape_cast %get3A_201 : vector<1x16xi32> to vector<16xi32>
      %and3A_203 = arith.constant 32767 : i32
      %and3A_204 = vector.broadcast %and3A_203 : i32 to vector<16xi32>
      %and3A_205 = arith.andi %get3A_202, %and3A_204 : vector<16xi32>
      %add3A_206 = arith.addi %get3A_202, %and3A_205 : vector<16xi32>
      %ge3A_207 = arith.constant 16384 : i32
      %ge3A_208 = vector.broadcast %ge3A_207 : i32 to vector<16xi32>
      %ge3A_209 = arith.cmpi sge, %and3A_205, %ge3A_208 : vector<16xi32>
      %jit3A_210 = arith.constant -32767 : i32
      %jit3A_211 = arith.constant 0 : i32
      %broadcast_in_dim3A_212 = vector.broadcast %jit3A_210 : i32 to vector<16xi32>
      %broadcast_in_dim3A_213 = vector.broadcast %jit3A_211 : i32 to vector<16xi32>
      %select_n3A_214 = arith.select %ge3A_209, %broadcast_in_dim3A_212, %broadcast_in_dim3A_213 : vector<16xi1>, vector<16xi32>
      %add3A_215 = arith.addi %add3A_206, %select_n3A_214 : vector<16xi32>
      %swap3A_216 = arith.index_cast %scan3A_73 : i32 to index
      %swap3A_217 = arith.constant 96 : index
      %swap3A_218 = tpu.vector_load %arg5[%swap3A_216, %swap3A_217] {strides = array<i32>} : memref<200x128xi32, #tpu.memory_space<vmem>>, vector<1x16xi32>,
      %swap3A_219 = vector.shape_cast %swap3A_218 : vector<1x16xi32> to vector<16xi32>
      %swap3A_220 = vector.shape_cast %add3A_215 : vector<16xi32> to vector<1x16xi32>
      tpu.vector_store %arg5[%swap3A_216, %swap3A_217], %swap3A_220 {strides = array<i32>} : memref<200x128xi32, #tpu.memory_space<vmem>>, vector<1x16xi32>,
      %get3A_221 = arith.index_cast %scan3A_73 : i32 to index
      %get3A_222 = arith.constant 112 : index
      %get3A_223 = tpu.vector_load %arg5[%get3A_221, %get3A_222] {strides = array<i32>} : memref<200x128xi32, #tpu.memory_space<vmem>>, vector<1x16xi32>,
      %get3A_224 = vector.shape_cast %get3A_223 : vector<1x16xi32> to vector<16xi32>
      %and3A_225 = arith.constant 32767 : i32
      %and3A_226 = vector.broadcast %and3A_225 : i32 to vector<16xi32>
      %and3A_227 = arith.andi %get3A_224, %and3A_226 : vector<16xi32>
      %add3A_228 = arith.addi %get3A_224, %and3A_227 : vector<16xi32>
      %ge3A_229 = arith.constant 16384 : i32
      %ge3A_230 = vector.broadcast %ge3A_229 : i32 to vector<16xi32>
      %ge3A_231 = arith.cmpi sge, %and3A_227, %ge3A_230 : vector<16xi32>
      %jit3A_232 = arith.constant -32767 : i32
      %jit3A_233 = arith.constant 0 : i32
      %broadcast_in_dim3A_234 = vector.broadcast %jit3A_232 : i32 to vector<16xi32>
      %broadcast_in_dim3A_235 = vector.broadcast %jit3A_233 : i32 to vector<16xi32>
      %select_n3A_236 = arith.select %ge3A_231, %broadcast_in_dim3A_234, %broadcast_in_dim3A_235 : vector<16xi1>, vector<16xi32>
      %add3A_237 = arith.addi %add3A_228, %select_n3A_236 : vector<16xi32>
      %swap3A_238 = arith.index_cast %scan3A_73 : i32 to index
      %swap3A_239 = arith.constant 112 : index
      %swap3A_240 = tpu.vector_load %arg5[%swap3A_238, %swap3A_239] {strides = array<i32>} : memref<200x128xi32, #tpu.memory_space<vmem>>, vector<1x16xi32>,
      %swap3A_241 = vector.shape_cast %swap3A_240 : vector<1x16xi32> to vector<16xi32>
      %swap3A_242 = vector.shape_cast %add3A_237 : vector<16xi32> to vector<1x16xi32>
      tpu.vector_store %arg5[%swap3A_238, %swap3A_239], %swap3A_242 {strides = array<i32>} : memref<200x128xi32, #tpu.memory_space<vmem>>, vector<1x16xi32>,
    }
    %scan3A_7 = arith.constant 200 : i32
    %scan3A_8 = arith.constant 0 : i32
    %scan3A_9 = arith.constant 0 : i32
    %scan3A_10 = arith.constant 128 : i32
    %scan3A_11 = arith.addi %scan3A_9, %scan3A_10 : i32
    %scan3A_12 = arith.constant 1 : i32
    scf.for %scan3A_73 = %scan3A_9 to %scan3A_11 step %scan3A_12  : i32 {
      %broadcast_in_dim3A = arith.constant 0.000000e+00 : f32
      %broadcast_in_dim3A_74 = vector.broadcast %broadcast_in_dim3A : f32 to vector<16xf32>
      %swap3A = arith.index_cast %scan3A_73 : i32 to index
      %swap3A_75 = arith.constant 0 : index
      %swap3A_76 = tpu.vector_load %arg7[%swap3A, %swap3A_75] {strides = array<i32>} : memref<128x64xf32, #tpu.memory_space<vmem>>, vector<1x16xf32>,
      %swap3A_77 = vector.shape_cast %swap3A_76 : vector<1x16xf32> to vector<16xf32>
      %swap3A_78 = vector.shape_cast %broadcast_in_dim3A_74 : vector<16xf32> to vector<1x16xf32>
      tpu.vector_store %arg7[%swap3A, %swap3A_75], %swap3A_78 {strides = array<i32>} : memref<128x64xf32, #tpu.memory_space<vmem>>, vector<1x16xf32>,
      %broadcast_in_dim3A_79 = arith.constant 0.000000e+00 : f32
      %broadcast_in_dim3A_80 = vector.broadcast %broadcast_in_dim3A_79 : f32 to vector<16xf32>
      %swap3A_81 = arith.index_cast %scan3A_73 : i32 to index
      %swap3A_82 = arith.constant 16 : index
      %swap3A_83 = tpu.vector_load %arg7[%swap3A_81, %swap3A_82] {strides = array<i32>} : memref<128x64xf32, #tpu.memory_space<vmem>>, vector<1x16xf32>,
      %swap3A_84 = vector.shape_cast %swap3A_83 : vector<1x16xf32> to vector<16xf32>
      %swap3A_85 = vector.shape_cast %broadcast_in_dim3A_80 : vector<16xf32> to vector<1x16xf32>
      tpu.vector_store %arg7[%swap3A_81, %swap3A_82], %swap3A_85 {strides = array<i32>} : memref<128x64xf32, #tpu.memory_space<vmem>>, vector<1x16xf32>,
      %broadcast_in_dim3A_86 = arith.constant 0.000000e+00 : f32
      %broadcast_in_dim3A_87 = vector.broadcast %broadcast_in_dim3A_86 : f32 to vector<16xf32>
      %swap3A_88 = arith.index_cast %scan3A_73 : i32 to index
      %swap3A_89 = arith.constant 32 : index
      %swap3A_90 = tpu.vector_load %arg7[%swap3A_88, %swap3A_89] {strides = array<i32>} : memref<128x64xf32, #tpu.memory_space<vmem>>, vector<1x16xf32>,
      %swap3A_91 = vector.shape_cast %swap3A_90 : vector<1x16xf32> to vector<16xf32>
      %swap3A_92 = vector.shape_cast %broadcast_in_dim3A_87 : vector<16xf32> to vector<1x16xf32>
      tpu.vector_store %arg7[%swap3A_88, %swap3A_89], %swap3A_92 {strides = array<i32>} : memref<128x64xf32, #tpu.memory_space<vmem>>, vector<1x16xf32>,
      %broadcast_in_dim3A_93 = arith.constant 0.000000e+00 : f32
      %broadcast_in_dim3A_94 = vector.broadcast %broadcast_in_dim3A_93 : f32 to vector<16xf32>
      %swap3A_95 = arith.index_cast %scan3A_73 : i32 to index
      %swap3A_96 = arith.constant 48 : index
      %swap3A_97 = tpu.vector_load %arg7[%swap3A_95, %swap3A_96] {strides = array<i32>} : memref<128x64xf32, #tpu.memory_space<vmem>>, vector<1x16xf32>,
      %swap3A_98 = vector.shape_cast %swap3A_97 : vector<1x16xf32> to vector<16xf32>
      %swap3A_99 = vector.shape_cast %broadcast_in_dim3A_94 : vector<16xf32> to vector<1x16xf32>
      tpu.vector_store %arg7[%swap3A_95, %swap3A_96], %swap3A_99 {strides = array<i32>} : memref<128x64xf32, #tpu.memory_space<vmem>>, vector<1x16xf32>,
    }
    %scan3A_13 = arith.constant 128 : i32
    %dma_start3A = arith.constant 0 : i32
    %dma_start3A_14 = arith.constant 0 : i32
    %dma_start3A_15 = arith.constant 0 : i32
    %dma_start3A_16 = arith.constant 0 : i32
    %dma_start3A_17 = tpu.memref_slice %arg6[%dma_start3A_14, %dma_start3A_15, %dma_start3A_16] : memref<4x128x64xf32, #tpu.memory_space<vmem>> -> memref<1x128x64xf32, #tpu.memory_space<vmem>>
    %dma_start3A_18 = tpu.memref_squeeze %dma_start3A_17 : memref<1x128x64xf32, #tpu.memory_space<vmem>> -> memref<128x64xf32, #tpu.memory_space<vmem>>
    %dma_start3A_19 = arith.constant 0 : i32
    %dma_start3A_20 = tpu.memref_slice %arg5[%dma_start3A, %dma_start3A_19] : memref<200x128xi32, #tpu.memory_space<vmem>> -> memref<1x128xi32, #tpu.memory_space<vmem>>
    %dma_start3A_21 = tpu.memref_squeeze %dma_start3A_20 : memref<1x128xi32, #tpu.memory_space<vmem>> -> memref<128xi32, #tpu.memory_space<vmem>>
    %dma_start3A_22 = arith.constant 0 : i32
    %dma_start3A_23 = arith.constant 0 : i32
    %dma_start3A_24 = tpu.memref_slice %arg3[%dma_start3A_22, %dma_start3A_23] : memref<1015808x64xf32, #tpu.memory_space<hbm>> -> memref<1015808x64xf32, #tpu.memory_space<hbm>>
    tpu.enqueue_indirect_dma source(%dma_start3A_24 : memref<1015808x64xf32, #tpu.memory_space<hbm>>) target(%dma_start3A_18 : memref<128x64xf32, #tpu.memory_space<vmem>>) offsets(%dma_start3A_21 : memref<128xi32, #tpu.memory_space<vmem>>) semaphore(%arg8 : memref<!tpu.dma_semaphore, #tpu.memory_space<semaphore_mem>>)
    %dma_start3A_25 = arith.constant 1 : i32
    %dma_start3A_26 = arith.constant 1 : i32
    %dma_start3A_27 = arith.constant 0 : i32
    %dma_start3A_28 = arith.constant 0 : i32
    %dma_start3A_29 = tpu.memref_slice %arg6[%dma_start3A_26, %dma_start3A_27, %dma_start3A_28] : memref<4x128x64xf32, #tpu.memory_space<vmem>> -> memref<1x128x64xf32, #tpu.memory_space<vmem>>
    %dma_start3A_30 = tpu.memref_squeeze %dma_start3A_29 : memref<1x128x64xf32, #tpu.memory_space<vmem>> -> memref<128x64xf32, #tpu.memory_space<vmem>>
    %dma_start3A_31 = arith.constant 0 : i32
    %dma_start3A_32 = tpu.memref_slice %arg5[%dma_start3A_25, %dma_start3A_31] : memref<200x128xi32, #tpu.memory_space<vmem>> -> memref<1x128xi32, #tpu.memory_space<vmem>>
    %dma_start3A_33 = tpu.memref_squeeze %dma_start3A_32 : memref<1x128xi32, #tpu.memory_space<vmem>> -> memref<128xi32, #tpu.memory_space<vmem>>
    %dma_start3A_34 = arith.constant 0 : i32
    %dma_start3A_35 = arith.constant 0 : i32
    %dma_start3A_36 = tpu.memref_slice %arg3[%dma_start3A_34, %dma_start3A_35] : memref<1015808x64xf32, #tpu.memory_space<hbm>> -> memref<1015808x64xf32, #tpu.memory_space<hbm>>
    tpu.enqueue_indirect_dma source(%dma_start3A_36 : memref<1015808x64xf32, #tpu.memory_space<hbm>>) target(%dma_start3A_30 : memref<128x64xf32, #tpu.memory_space<vmem>>) offsets(%dma_start3A_33 : memref<128xi32, #tpu.memory_space<vmem>>) semaphore(%arg9 : memref<!tpu.dma_semaphore, #tpu.memory_space<semaphore_mem>>)
    %dma_start3A_37 = arith.constant 2 : i32
    %dma_start3A_38 = arith.constant 2 : i32
    %dma_start3A_39 = arith.constant 0 : i32
    %dma_start3A_40 = arith.constant 0 : i32
    %dma_start3A_41 = tpu.memref_slice %arg6[%dma_start3A_38, %dma_start3A_39, %dma_start3A_40] : memref<4x128x64xf32, #tpu.memory_space<vmem>> -> memref<1x128x64xf32, #tpu.memory_space<vmem>>
    %dma_start3A_42 = tpu.memref_squeeze %dma_start3A_41 : memref<1x128x64xf32, #tpu.memory_space<vmem>> -> memref<128x64xf32, #tpu.memory_space<vmem>>
    %dma_start3A_43 = arith.constant 0 : i32
    %dma_start3A_44 = tpu.memref_slice %arg5[%dma_start3A_37, %dma_start3A_43] : memref<200x128xi32, #tpu.memory_space<vmem>> -> memref<1x128xi32, #tpu.memory_space<vmem>>
    %dma_start3A_45 = tpu.memref_squeeze %dma_start3A_44 : memref<1x128xi32, #tpu.memory_space<vmem>> -> memref<128xi32, #tpu.memory_space<vmem>>
    %dma_start3A_46 = arith.constant 0 : i32
    %dma_start3A_47 = arith.constant 0 : i32
    %dma_start3A_48 = tpu.memref_slice %arg3[%dma_start3A_46, %dma_start3A_47] : memref<1015808x64xf32, #tpu.memory_space<hbm>> -> memref<1015808x64xf32, #tpu.memory_space<hbm>>
    tpu.enqueue_indirect_dma source(%dma_start3A_48 : memref<1015808x64xf32, #tpu.memory_space<hbm>>) target(%dma_start3A_42 : memref<128x64xf32, #tpu.memory_space<vmem>>) offsets(%dma_start3A_45 : memref<128xi32, #tpu.memory_space<vmem>>) semaphore(%arg10 : memref<!tpu.dma_semaphore, #tpu.memory_space<semaphore_mem>>)
    %dma_start3A_49 = arith.constant 3 : i32
    %dma_start3A_50 = arith.constant 3 : i32
    %dma_start3A_51 = arith.constant 0 : i32
    %dma_start3A_52 = arith.constant 0 : i32
    %dma_start3A_53 = tpu.memref_slice %arg6[%dma_start3A_50, %dma_start3A_51, %dma_start3A_52] : memref<4x128x64xf32, #tpu.memory_space<vmem>> -> memref<1x128x64xf32, #tpu.memory_space<vmem>>
    %dma_start3A_54 = tpu.memref_squeeze %dma_start3A_53 : memref<1x128x64xf32, #tpu.memory_space<vmem>> -> memref<128x64xf32, #tpu.memory_space<vmem>>
    %dma_start3A_55 = arith.constant 0 : i32
    %dma_start3A_56 = tpu.memref_slice %arg5[%dma_start3A_49, %dma_start3A_55] : memref<200x128xi32, #tpu.memory_space<vmem>> -> memref<1x128xi32, #tpu.memory_space<vmem>>
    %dma_start3A_57 = tpu.memref_squeeze %dma_start3A_56 : memref<1x128xi32, #tpu.memory_space<vmem>> -> memref<128xi32, #tpu.memory_space<vmem>>
    %dma_start3A_58 = arith.constant 0 : i32
    %dma_start3A_59 = arith.constant 0 : i32
    %dma_start3A_60 = tpu.memref_slice %arg3[%dma_start3A_58, %dma_start3A_59] : memref<1015808x64xf32, #tpu.memory_space<hbm>> -> memref<1015808x64xf32, #tpu.memory_space<hbm>>
    tpu.enqueue_indirect_dma source(%dma_start3A_60 : memref<1015808x64xf32, #tpu.memory_space<hbm>>) target(%dma_start3A_54 : memref<128x64xf32, #tpu.memory_space<vmem>>) offsets(%dma_start3A_57 : memref<128xi32, #tpu.memory_space<vmem>>) semaphore(%arg11 : memref<!tpu.dma_semaphore, #tpu.memory_space<semaphore_mem>>)
    %scan3A_61 = arith.constant 0 : i32
    %scan3A_62 = arith.constant 0 : i32
    %scan3A_63 = arith.constant 50 : i32
    %scan3A_64 = arith.addi %scan3A_62, %scan3A_63 : i32
    %scan3A_65 = arith.constant 1 : i32
    scf.for %scan3A_73 = %scan3A_62 to %scan3A_64 step %scan3A_65  : i32 {
      %mul3A_74 = arith.constant 4 : i32
      %mul3A_75 = arith.muli %scan3A_73, %mul3A_74 : i32
      %add3A_76 = arith.constant 0 : i32
      %add3A_77 = arith.addi %mul3A_75, %add3A_76 : i32
      %dma_wait3A = arith.constant 0 : i32
      %dma_wait3A_78 = arith.constant 0 : i32
      %dma_wait3A_79 = arith.constant 0 : i32
      %dma_wait3A_80 = tpu.memref_slice %arg6[%dma_wait3A, %dma_wait3A_78, %dma_wait3A_79] : memref<4x128x64xf32, #tpu.memory_space<vmem>> -> memref<1x128x64xf32, #tpu.memory_space<vmem>>
      %dma_wait3A_81 = tpu.memref_squeeze %dma_wait3A_80 : memref<1x128x64xf32, #tpu.memory_space<vmem>> -> memref<128x64xf32, #tpu.memory_space<vmem>>
      %dma_wait3A_82 = arith.constant 0 : i32
      %dma_wait3A_83 = arith.constant 0 : i32
      %dma_wait3A_84 = tpu.memref_slice %arg3[%dma_wait3A_82, %dma_wait3A_83] : memref<1015808x64xf32, #tpu.memory_space<hbm>> -> memref<128x64xf32, #tpu.memory_space<hbm>>
      %dma_wait3A_85 = arith.constant 0 : i32
      %dma_wait3A_86 = arith.constant 0 : i32
      %dma_wait3A_87 = tpu.memref_slice %arg6[%dma_wait3A, %dma_wait3A_85, %dma_wait3A_86] : memref<4x128x64xf32, #tpu.memory_space<vmem>> -> memref<1x128x64xf32, #tpu.memory_space<vmem>>
      %dma_wait3A_88 = tpu.memref_squeeze %dma_wait3A_87 : memref<1x128x64xf32, #tpu.memory_space<vmem>> -> memref<128x64xf32, #tpu.memory_space<vmem>>
      %dma_wait3A_89 = arith.constant 0 : i32
      %dma_wait3A_90 = arith.constant 0 : i32
      %dma_wait3A_91 = tpu.memref_slice %arg3[%dma_wait3A_89, %dma_wait3A_90] : memref<1015808x64xf32, #tpu.memory_space<hbm>> -> memref<128x64xf32, #tpu.memory_space<hbm>>
      tpu.wait_dma2 semaphore(%arg8 : memref<!tpu.dma_semaphore, #tpu.memory_space<semaphore_mem>>) src(%dma_wait3A_91 : memref<128x64xf32, #tpu.memory_space<hbm>>) dst(%dma_wait3A_88 : memref<128x64xf32, #tpu.memory_space<vmem>>)
      %scan3A_92 = arith.constant 0 : i32
      %scan3A_93 = arith.constant 0 : i32
      %scan3A_94 = arith.constant 128 : i32
      %scan3A_95 = arith.addi %scan3A_93, %scan3A_94 : i32
      %scan3A_96 = arith.constant 1 : i32
      scf.for %scan3A_198 = %scan3A_93 to %scan3A_95 step %scan3A_96  : i32 {
        %get3A = arith.constant 0 : i32
        %get3A_199 = arith.index_cast %get3A : i32 to index
        %get3A_200 = arith.index_cast %scan3A_198 : i32 to index
        %get3A_201 = arith.constant 0 : index
        %get3A_202 = tpu.vector_load %arg6[%get3A_199, %get3A_200, %get3A_201] {strides = array<i32>} : memref<4x128x64xf32, #tpu.memory_space<vmem>>, vector<1x1x16xf32>,
        %get3A_203 = vector.shape_cast %get3A_202 : vector<1x1x16xf32> to vector<16xf32>
        %swap3A = arith.index_cast %scan3A_198 : i32 to index
        %swap3A_204 = arith.constant 0 : index
        %swap3A_205 = tpu.vector_load %arg7[%swap3A, %swap3A_204] {strides = array<i32>} : memref<128x64xf32, #tpu.memory_space<vmem>>, vector<1x16xf32>,
        %swap3A_206 = vector.shape_cast %swap3A_205 : vector<1x16xf32> to vector<16xf32>
        %swap3A_207 = vector.shape_cast %get3A_203 : vector<16xf32> to vector<1x16xf32>
        tpu.vector_store %arg7[%swap3A, %swap3A_204], %swap3A_207 {add = true, strides = array<i32>} : memref<128x64xf32, #tpu.memory_space<vmem>>, vector<1x16xf32>,
        %get3A_208 = arith.constant 0 : i32
        %get3A_209 = arith.index_cast %get3A_208 : i32 to index
        %get3A_210 = arith.index_cast %scan3A_198 : i32 to index
        %get3A_211 = arith.constant 16 : index
        %get3A_212 = tpu.vector_load %arg6[%get3A_209, %get3A_210, %get3A_211] {strides = array<i32>} : memref<4x128x64xf32, #tpu.memory_space<vmem>>, vector<1x1x16xf32>,
        %get3A_213 = vector.shape_cast %get3A_212 : vector<1x1x16xf32> to vector<16xf32>
        %swap3A_214 = arith.index_cast %scan3A_198 : i32 to index
        %swap3A_215 = arith.constant 16 : index
        %swap3A_216 = tpu.vector_load %arg7[%swap3A_214, %swap3A_215] {strides = array<i32>} : memref<128x64xf32, #tpu.memory_space<vmem>>, vector<1x16xf32>,
        %swap3A_217 = vector.shape_cast %swap3A_216 : vector<1x16xf32> to vector<16xf32>
        %swap3A_218 = vector.shape_cast %get3A_213 : vector<16xf32> to vector<1x16xf32>
        tpu.vector_store %arg7[%swap3A_214, %swap3A_215], %swap3A_218 {add = true, strides = array<i32>} : memref<128x64xf32, #tpu.memory_space<vmem>>, vector<1x16xf32>,
        %get3A_219 = arith.constant 0 : i32
        %get3A_220 = arith.index_cast %get3A_219 : i32 to index
        %get3A_221 = arith.index_cast %scan3A_198 : i32 to index
        %get3A_222 = arith.constant 32 : index
        %get3A_223 = tpu.vector_load %arg6[%get3A_220, %get3A_221, %get3A_222] {strides = array<i32>} : memref<4x128x64xf32, #tpu.memory_space<vmem>>, vector<1x1x16xf32>,
        %get3A_224 = vector.shape_cast %get3A_223 : vector<1x1x16xf32> to vector<16xf32>
        %swap3A_225 = arith.index_cast %scan3A_198 : i32 to index
        %swap3A_226 = arith.constant 32 : index
        %swap3A_227 = tpu.vector_load %arg7[%swap3A_225, %swap3A_226] {strides = array<i32>} : memref<128x64xf32, #tpu.memory_space<vmem>>, vector<1x16xf32>,
        %swap3A_228 = vector.shape_cast %swap3A_227 : vector<1x16xf32> to vector<16xf32>
        %swap3A_229 = vector.shape_cast %get3A_224 : vector<16xf32> to vector<1x16xf32>
        tpu.vector_store %arg7[%swap3A_225, %swap3A_226], %swap3A_229 {add = true, strides = array<i32>} : memref<128x64xf32, #tpu.memory_space<vmem>>, vector<1x16xf32>,
        %get3A_230 = arith.constant 0 : i32
        %get3A_231 = arith.index_cast %get3A_230 : i32 to index
        %get3A_232 = arith.index_cast %scan3A_198 : i32 to index
        %get3A_233 = arith.constant 48 : index
        %get3A_234 = tpu.vector_load %arg6[%get3A_231, %get3A_232, %get3A_233] {strides = array<i32>} : memref<4x128x64xf32, #tpu.memory_space<vmem>>, vector<1x1x16xf32>,
        %get3A_235 = vector.shape_cast %get3A_234 : vector<1x1x16xf32> to vector<16xf32>
        %swap3A_236 = arith.index_cast %scan3A_198 : i32 to index
        %swap3A_237 = arith.constant 48 : index
        %swap3A_238 = tpu.vector_load %arg7[%swap3A_236, %swap3A_237] {strides = array<i32>} : memref<128x64xf32, #tpu.memory_space<vmem>>, vector<1x16xf32>,
        %swap3A_239 = vector.shape_cast %swap3A_238 : vector<1x16xf32> to vector<16xf32>
        %swap3A_240 = vector.shape_cast %get3A_235 : vector<16xf32> to vector<1x16xf32>
        tpu.vector_store %arg7[%swap3A_236, %swap3A_237], %swap3A_240 {add = true, strides = array<i32>} : memref<128x64xf32, #tpu.memory_space<vmem>>, vector<1x16xf32>,
      }
      %scan3A_97 = arith.constant 128 : i32
      %add3A_98 = arith.constant 4 : i32
      %add3A_99 = arith.addi %add3A_77, %add3A_98 : i32
      %lt3A = arith.constant 200 : i32
      %lt3A_100 = arith.cmpi slt, %add3A_99, %lt3A : i32
      %convert_element_type3A = arith.extui %lt3A_100 : i1 to i32
      %cond3A = arith.constant 0 : i32
      %cond3A_101 = arith.cmpi ne, %convert_element_type3A, %cond3A : i32
      scf.if %cond3A_101 {
        %dma_start3A_198 = arith.constant 0 : i32
        %dma_start3A_199 = arith.constant 0 : i32
        %dma_start3A_200 = arith.constant 0 : i32
        %dma_start3A_201 = tpu.memref_slice %arg6[%dma_start3A_198, %dma_start3A_199, %dma_start3A_200] : memref<4x128x64xf32, #tpu.memory_space<vmem>> -> memref<1x128x64xf32, #tpu.memory_space<vmem>>
        %dma_start3A_202 = tpu.memref_squeeze %dma_start3A_201 : memref<1x128x64xf32, #tpu.memory_space<vmem>> -> memref<128x64xf32, #tpu.memory_space<vmem>>
        %dma_start3A_203 = arith.constant 0 : i32
        %dma_start3A_204 = tpu.memref_slice %arg5[%add3A_99, %dma_start3A_203] : memref<200x128xi32, #tpu.memory_space<vmem>> -> memref<1x128xi32, #tpu.memory_space<vmem>>
        %dma_start3A_205 = tpu.memref_squeeze %dma_start3A_204 : memref<1x128xi32, #tpu.memory_space<vmem>> -> memref<128xi32, #tpu.memory_space<vmem>>
        %dma_start3A_206 = arith.constant 0 : i32
        %dma_start3A_207 = arith.constant 0 : i32
        %dma_start3A_208 = tpu.memref_slice %arg3[%dma_start3A_206, %dma_start3A_207] : memref<1015808x64xf32, #tpu.memory_space<hbm>> -> memref<1015808x64xf32, #tpu.memory_space<hbm>>
        tpu.enqueue_indirect_dma source(%dma_start3A_208 : memref<1015808x64xf32, #tpu.memory_space<hbm>>) target(%dma_start3A_202 : memref<128x64xf32, #tpu.memory_space<vmem>>) offsets(%dma_start3A_205 : memref<128xi32, #tpu.memory_space<vmem>>) semaphore(%arg8 : memref<!tpu.dma_semaphore, #tpu.memory_space<semaphore_mem>>)
      } else {
      }
      %mul3A_102 = arith.constant 4 : i32
      %mul3A_103 = arith.muli %scan3A_73, %mul3A_102 : i32
      %add3A_104 = arith.constant 1 : i32
      %add3A_105 = arith.addi %mul3A_103, %add3A_104 : i32
      %dma_wait3A_106 = arith.constant 1 : i32
      %dma_wait3A_107 = arith.constant 0 : i32
      %dma_wait3A_108 = arith.constant 0 : i32
      %dma_wait3A_109 = tpu.memref_slice %arg6[%dma_wait3A_106, %dma_wait3A_107, %dma_wait3A_108] : memref<4x128x64xf32, #tpu.memory_space<vmem>> -> memref<1x128x64xf32, #tpu.memory_space<vmem>>
      %dma_wait3A_110 = tpu.memref_squeeze %dma_wait3A_109 : memref<1x128x64xf32, #tpu.memory_space<vmem>> -> memref<128x64xf32, #tpu.memory_space<vmem>>
      %dma_wait3A_111 = arith.constant 0 : i32
      %dma_wait3A_112 = arith.constant 0 : i32
      %dma_wait3A_113 = tpu.memref_slice %arg3[%dma_wait3A_111, %dma_wait3A_112] : memref<1015808x64xf32, #tpu.memory_space<hbm>> -> memref<128x64xf32, #tpu.memory_space<hbm>>
      %dma_wait3A_114 = arith.constant 0 : i32
      %dma_wait3A_115 = arith.constant 0 : i32
      %dma_wait3A_116 = tpu.memref_slice %arg6[%dma_wait3A_106, %dma_wait3A_114, %dma_wait3A_115] : memref<4x128x64xf32, #tpu.memory_space<vmem>> -> memref<1x128x64xf32, #tpu.memory_space<vmem>>
      %dma_wait3A_117 = tpu.memref_squeeze %dma_wait3A_116 : memref<1x128x64xf32, #tpu.memory_space<vmem>> -> memref<128x64xf32, #tpu.memory_space<vmem>>
      %dma_wait3A_118 = arith.constant 0 : i32
      %dma_wait3A_119 = arith.constant 0 : i32
      %dma_wait3A_120 = tpu.memref_slice %arg3[%dma_wait3A_118, %dma_wait3A_119] : memref<1015808x64xf32, #tpu.memory_space<hbm>> -> memref<128x64xf32, #tpu.memory_space<hbm>>
      tpu.wait_dma2 semaphore(%arg9 : memref<!tpu.dma_semaphore, #tpu.memory_space<semaphore_mem>>) src(%dma_wait3A_120 : memref<128x64xf32, #tpu.memory_space<hbm>>) dst(%dma_wait3A_117 : memref<128x64xf32, #tpu.memory_space<vmem>>)
      %scan3A_121 = arith.constant 0 : i32
      %scan3A_122 = arith.constant 0 : i32
      %scan3A_123 = arith.constant 128 : i32
      %scan3A_124 = arith.addi %scan3A_122, %scan3A_123 : i32
      %scan3A_125 = arith.constant 1 : i32
      scf.for %scan3A_198 = %scan3A_122 to %scan3A_124 step %scan3A_125  : i32 {
        %get3A = arith.constant 1 : i32
        %get3A_199 = arith.index_cast %get3A : i32 to index
        %get3A_200 = arith.index_cast %scan3A_198 : i32 to index
        %get3A_201 = arith.constant 0 : index
        %get3A_202 = tpu.vector_load %arg6[%get3A_199, %get3A_200, %get3A_201] {strides = array<i32>} : memref<4x128x64xf32, #tpu.memory_space<vmem>>, vector<1x1x16xf32>,
        %get3A_203 = vector.shape_cast %get3A_202 : vector<1x1x16xf32> to vector<16xf32>
        %swap3A = arith.index_cast %scan3A_198 : i32 to index
        %swap3A_204 = arith.constant 0 : index
        %swap3A_205 = tpu.vector_load %arg7[%swap3A, %swap3A_204] {strides = array<i32>} : memref<128x64xf32, #tpu.memory_space<vmem>>, vector<1x16xf32>,
        %swap3A_206 = vector.shape_cast %swap3A_205 : vector<1x16xf32> to vector<16xf32>
        %swap3A_207 = vector.shape_cast %get3A_203 : vector<16xf32> to vector<1x16xf32>
        tpu.vector_store %arg7[%swap3A, %swap3A_204], %swap3A_207 {add = true, strides = array<i32>} : memref<128x64xf32, #tpu.memory_space<vmem>>, vector<1x16xf32>,
        %get3A_208 = arith.constant 1 : i32
        %get3A_209 = arith.index_cast %get3A_208 : i32 to index
        %get3A_210 = arith.index_cast %scan3A_198 : i32 to index
        %get3A_211 = arith.constant 16 : index
        %get3A_212 = tpu.vector_load %arg6[%get3A_209, %get3A_210, %get3A_211] {strides = array<i32>} : memref<4x128x64xf32, #tpu.memory_space<vmem>>, vector<1x1x16xf32>,
        %get3A_213 = vector.shape_cast %get3A_212 : vector<1x1x16xf32> to vector<16xf32>
        %swap3A_214 = arith.index_cast %scan3A_198 : i32 to index
        %swap3A_215 = arith.constant 16 : index
        %swap3A_216 = tpu.vector_load %arg7[%swap3A_214, %swap3A_215] {strides = array<i32>} : memref<128x64xf32, #tpu.memory_space<vmem>>, vector<1x16xf32>,
        %swap3A_217 = vector.shape_cast %swap3A_216 : vector<1x16xf32> to vector<16xf32>
        %swap3A_218 = vector.shape_cast %get3A_213 : vector<16xf32> to vector<1x16xf32>
        tpu.vector_store %arg7[%swap3A_214, %swap3A_215], %swap3A_218 {add = true, strides = array<i32>} : memref<128x64xf32, #tpu.memory_space<vmem>>, vector<1x16xf32>,
        %get3A_219 = arith.constant 1 : i32
        %get3A_220 = arith.index_cast %get3A_219 : i32 to index
        %get3A_221 = arith.index_cast %scan3A_198 : i32 to index
        %get3A_222 = arith.constant 32 : index
        %get3A_223 = tpu.vector_load %arg6[%get3A_220, %get3A_221, %get3A_222] {strides = array<i32>} : memref<4x128x64xf32, #tpu.memory_space<vmem>>, vector<1x1x16xf32>,
        %get3A_224 = vector.shape_cast %get3A_223 : vector<1x1x16xf32> to vector<16xf32>
        %swap3A_225 = arith.index_cast %scan3A_198 : i32 to index
        %swap3A_226 = arith.constant 32 : index
        %swap3A_227 = tpu.vector_load %arg7[%swap3A_225, %swap3A_226] {strides = array<i32>} : memref<128x64xf32, #tpu.memory_space<vmem>>, vector<1x16xf32>,
        %swap3A_228 = vector.shape_cast %swap3A_227 : vector<1x16xf32> to vector<16xf32>
        %swap3A_229 = vector.shape_cast %get3A_224 : vector<16xf32> to vector<1x16xf32>
        tpu.vector_store %arg7[%swap3A_225, %swap3A_226], %swap3A_229 {add = true, strides = array<i32>} : memref<128x64xf32, #tpu.memory_space<vmem>>, vector<1x16xf32>,
        %get3A_230 = arith.constant 1 : i32
        %get3A_231 = arith.index_cast %get3A_230 : i32 to index
        %get3A_232 = arith.index_cast %scan3A_198 : i32 to index
        %get3A_233 = arith.constant 48 : index
        %get3A_234 = tpu.vector_load %arg6[%get3A_231, %get3A_232, %get3A_233] {strides = array<i32>} : memref<4x128x64xf32, #tpu.memory_space<vmem>>, vector<1x1x16xf32>,
        %get3A_235 = vector.shape_cast %get3A_234 : vector<1x1x16xf32> to vector<16xf32>
        %swap3A_236 = arith.index_cast %scan3A_198 : i32 to index
        %swap3A_237 = arith.constant 48 : index
        %swap3A_238 = tpu.vector_load %arg7[%swap3A_236, %swap3A_237] {strides = array<i32>} : memref<128x64xf32, #tpu.memory_space<vmem>>, vector<1x16xf32>,
        %swap3A_239 = vector.shape_cast %swap3A_238 : vector<1x16xf32> to vector<16xf32>
        %swap3A_240 = vector.shape_cast %get3A_235 : vector<16xf32> to vector<1x16xf32>
        tpu.vector_store %arg7[%swap3A_236, %swap3A_237], %swap3A_240 {add = true, strides = array<i32>} : memref<128x64xf32, #tpu.memory_space<vmem>>, vector<1x16xf32>,
      }
      %scan3A_126 = arith.constant 128 : i32
      %add3A_127 = arith.constant 4 : i32
      %add3A_128 = arith.addi %add3A_105, %add3A_127 : i32
      %lt3A_129 = arith.constant 200 : i32
      %lt3A_130 = arith.cmpi slt, %add3A_128, %lt3A_129 : i32
      %convert_element_type3A_131 = arith.extui %lt3A_130 : i1 to i32
      %cond3A_132 = arith.constant 0 : i32
      %cond3A_133 = arith.cmpi ne, %convert_element_type3A_131, %cond3A_132 : i32
      scf.if %cond3A_133 {
        %dma_start3A_198 = arith.constant 1 : i32
        %dma_start3A_199 = arith.constant 0 : i32
        %dma_start3A_200 = arith.constant 0 : i32
        %dma_start3A_201 = tpu.memref_slice %arg6[%dma_start3A_198, %dma_start3A_199, %dma_start3A_200] : memref<4x128x64xf32, #tpu.memory_space<vmem>> -> memref<1x128x64xf32, #tpu.memory_space<vmem>>
        %dma_start3A_202 = tpu.memref_squeeze %dma_start3A_201 : memref<1x128x64xf32, #tpu.memory_space<vmem>> -> memref<128x64xf32, #tpu.memory_space<vmem>>
        %dma_start3A_203 = arith.constant 0 : i32
        %dma_start3A_204 = tpu.memref_slice %arg5[%add3A_128, %dma_start3A_203] : memref<200x128xi32, #tpu.memory_space<vmem>> -> memref<1x128xi32, #tpu.memory_space<vmem>>
        %dma_start3A_205 = tpu.memref_squeeze %dma_start3A_204 : memref<1x128xi32, #tpu.memory_space<vmem>> -> memref<128xi32, #tpu.memory_space<vmem>>
        %dma_start3A_206 = arith.constant 0 : i32
        %dma_start3A_207 = arith.constant 0 : i32
        %dma_start3A_208 = tpu.memref_slice %arg3[%dma_start3A_206, %dma_start3A_207] : memref<1015808x64xf32, #tpu.memory_space<hbm>> -> memref<1015808x64xf32, #tpu.memory_space<hbm>>
        tpu.enqueue_indirect_dma source(%dma_start3A_208 : memref<1015808x64xf32, #tpu.memory_space<hbm>>) target(%dma_start3A_202 : memref<128x64xf32, #tpu.memory_space<vmem>>) offsets(%dma_start3A_205 : memref<128xi32, #tpu.memory_space<vmem>>) semaphore(%arg9 : memref<!tpu.dma_semaphore, #tpu.memory_space<semaphore_mem>>)
      } else {
      }
      %mul3A_134 = arith.constant 4 : i32
      %mul3A_135 = arith.muli %scan3A_73, %mul3A_134 : i32
      %add3A_136 = arith.constant 2 : i32
      %add3A_137 = arith.addi %mul3A_135, %add3A_136 : i32
      %dma_wait3A_138 = arith.constant 2 : i32
      %dma_wait3A_139 = arith.constant 0 : i32
      %dma_wait3A_140 = arith.constant 0 : i32
      %dma_wait3A_141 = tpu.memref_slice %arg6[%dma_wait3A_138, %dma_wait3A_139, %dma_wait3A_140] : memref<4x128x64xf32, #tpu.memory_space<vmem>> -> memref<1x128x64xf32, #tpu.memory_space<vmem>>
      %dma_wait3A_142 = tpu.memref_squeeze %dma_wait3A_141 : memref<1x128x64xf32, #tpu.memory_space<vmem>> -> memref<128x64xf32, #tpu.memory_space<vmem>>
      %dma_wait3A_143 = arith.constant 0 : i32
      %dma_wait3A_144 = arith.constant 0 : i32
      %dma_wait3A_145 = tpu.memref_slice %arg3[%dma_wait3A_143, %dma_wait3A_144] : memref<1015808x64xf32, #tpu.memory_space<hbm>> -> memref<128x64xf32, #tpu.memory_space<hbm>>
      %dma_wait3A_146 = arith.constant 0 : i32
      %dma_wait3A_147 = arith.constant 0 : i32
      %dma_wait3A_148 = tpu.memref_slice %arg6[%dma_wait3A_138, %dma_wait3A_146, %dma_wait3A_147] : memref<4x128x64xf32, #tpu.memory_space<vmem>> -> memref<1x128x64xf32, #tpu.memory_space<vmem>>
      %dma_wait3A_149 = tpu.memref_squeeze %dma_wait3A_148 : memref<1x128x64xf32, #tpu.memory_space<vmem>> -> memref<128x64xf32, #tpu.memory_space<vmem>>
      %dma_wait3A_150 = arith.constant 0 : i32
      %dma_wait3A_151 = arith.constant 0 : i32
      %dma_wait3A_152 = tpu.memref_slice %arg3[%dma_wait3A_150, %dma_wait3A_151] : memref<1015808x64xf32, #tpu.memory_space<hbm>> -> memref<128x64xf32, #tpu.memory_space<hbm>>
      tpu.wait_dma2 semaphore(%arg10 : memref<!tpu.dma_semaphore, #tpu.memory_space<semaphore_mem>>) src(%dma_wait3A_152 : memref<128x64xf32, #tpu.memory_space<hbm>>) dst(%dma_wait3A_149 : memref<128x64xf32, #tpu.memory_space<vmem>>)
      %scan3A_153 = arith.constant 0 : i32
      %scan3A_154 = arith.constant 0 : i32
      %scan3A_155 = arith.constant 128 : i32
      %scan3A_156 = arith.addi %scan3A_154, %scan3A_155 : i32
      %scan3A_157 = arith.constant 1 : i32
      scf.for %scan3A_198 = %scan3A_154 to %scan3A_156 step %scan3A_157  : i32 {
        %get3A = arith.constant 2 : i32
        %get3A_199 = arith.index_cast %get3A : i32 to index
        %get3A_200 = arith.index_cast %scan3A_198 : i32 to index
        %get3A_201 = arith.constant 0 : index
        %get3A_202 = tpu.vector_load %arg6[%get3A_199, %get3A_200, %get3A_201] {strides = array<i32>} : memref<4x128x64xf32, #tpu.memory_space<vmem>>, vector<1x1x16xf32>,
        %get3A_203 = vector.shape_cast %get3A_202 : vector<1x1x16xf32> to vector<16xf32>
        %swap3A = arith.index_cast %scan3A_198 : i32 to index
        %swap3A_204 = arith.constant 0 : index
        %swap3A_205 = tpu.vector_load %arg7[%swap3A, %swap3A_204] {strides = array<i32>} : memref<128x64xf32, #tpu.memory_space<vmem>>, vector<1x16xf32>,
        %swap3A_206 = vector.shape_cast %swap3A_205 : vector<1x16xf32> to vector<16xf32>
        %swap3A_207 = vector.shape_cast %get3A_203 : vector<16xf32> to vector<1x16xf32>
        tpu.vector_store %arg7[%swap3A, %swap3A_204], %swap3A_207 {add = true, strides = array<i32>} : memref<128x64xf32, #tpu.memory_space<vmem>>, vector<1x16xf32>,
        %get3A_208 = arith.constant 2 : i32
        %get3A_209 = arith.index_cast %get3A_208 : i32 to index
        %get3A_210 = arith.index_cast %scan3A_198 : i32 to index
        %get3A_211 = arith.constant 16 : index
        %get3A_212 = tpu.vector_load %arg6[%get3A_209, %get3A_210, %get3A_211] {strides = array<i32>} : memref<4x128x64xf32, #tpu.memory_space<vmem>>, vector<1x1x16xf32>,
        %get3A_213 = vector.shape_cast %get3A_212 : vector<1x1x16xf32> to vector<16xf32>
        %swap3A_214 = arith.index_cast %scan3A_198 : i32 to index
        %swap3A_215 = arith.constant 16 : index
        %swap3A_216 = tpu.vector_load %arg7[%swap3A_214, %swap3A_215] {strides = array<i32>} : memref<128x64xf32, #tpu.memory_space<vmem>>, vector<1x16xf32>,
        %swap3A_217 = vector.shape_cast %swap3A_216 : vector<1x16xf32> to vector<16xf32>
        %swap3A_218 = vector.shape_cast %get3A_213 : vector<16xf32> to vector<1x16xf32>
        tpu.vector_store %arg7[%swap3A_214, %swap3A_215], %swap3A_218 {add = true, strides = array<i32>} : memref<128x64xf32, #tpu.memory_space<vmem>>, vector<1x16xf32>,
        %get3A_219 = arith.constant 2 : i32
        %get3A_220 = arith.index_cast %get3A_219 : i32 to index
        %get3A_221 = arith.index_cast %scan3A_198 : i32 to index
        %get3A_222 = arith.constant 32 : index
        %get3A_223 = tpu.vector_load %arg6[%get3A_220, %get3A_221, %get3A_222] {strides = array<i32>} : memref<4x128x64xf32, #tpu.memory_space<vmem>>, vector<1x1x16xf32>,
        %get3A_224 = vector.shape_cast %get3A_223 : vector<1x1x16xf32> to vector<16xf32>
        %swap3A_225 = arith.index_cast %scan3A_198 : i32 to index
        %swap3A_226 = arith.constant 32 : index
        %swap3A_227 = tpu.vector_load %arg7[%swap3A_225, %swap3A_226] {strides = array<i32>} : memref<128x64xf32, #tpu.memory_space<vmem>>, vector<1x16xf32>,
        %swap3A_228 = vector.shape_cast %swap3A_227 : vector<1x16xf32> to vector<16xf32>
        %swap3A_229 = vector.shape_cast %get3A_224 : vector<16xf32> to vector<1x16xf32>
        tpu.vector_store %arg7[%swap3A_225, %swap3A_226], %swap3A_229 {add = true, strides = array<i32>} : memref<128x64xf32, #tpu.memory_space<vmem>>, vector<1x16xf32>,
        %get3A_230 = arith.constant 2 : i32
        %get3A_231 = arith.index_cast %get3A_230 : i32 to index
        %get3A_232 = arith.index_cast %scan3A_198 : i32 to index
        %get3A_233 = arith.constant 48 : index
        %get3A_234 = tpu.vector_load %arg6[%get3A_231, %get3A_232, %get3A_233] {strides = array<i32>} : memref<4x128x64xf32, #tpu.memory_space<vmem>>, vector<1x1x16xf32>,
        %get3A_235 = vector.shape_cast %get3A_234 : vector<1x1x16xf32> to vector<16xf32>
        %swap3A_236 = arith.index_cast %scan3A_198 : i32 to index
        %swap3A_237 = arith.constant 48 : index
        %swap3A_238 = tpu.vector_load %arg7[%swap3A_236, %swap3A_237] {strides = array<i32>} : memref<128x64xf32, #tpu.memory_space<vmem>>, vector<1x16xf32>,
        %swap3A_239 = vector.shape_cast %swap3A_238 : vector<1x16xf32> to vector<16xf32>
        %swap3A_240 = vector.shape_cast %get3A_235 : vector<16xf32> to vector<1x16xf32>
        tpu.vector_store %arg7[%swap3A_236, %swap3A_237], %swap3A_240 {add = true, strides = array<i32>} : memref<128x64xf32, #tpu.memory_space<vmem>>, vector<1x16xf32>,
      }
      %scan3A_158 = arith.constant 128 : i32
      %add3A_159 = arith.constant 4 : i32
      %add3A_160 = arith.addi %add3A_137, %add3A_159 : i32
      %lt3A_161 = arith.constant 200 : i32
      %lt3A_162 = arith.cmpi slt, %add3A_160, %lt3A_161 : i32
      %convert_element_type3A_163 = arith.extui %lt3A_162 : i1 to i32
      %cond3A_164 = arith.constant 0 : i32
      %cond3A_165 = arith.cmpi ne, %convert_element_type3A_163, %cond3A_164 : i32
      scf.if %cond3A_165 {
        %dma_start3A_198 = arith.constant 2 : i32
        %dma_start3A_199 = arith.constant 0 : i32
        %dma_start3A_200 = arith.constant 0 : i32
        %dma_start3A_201 = tpu.memref_slice %arg6[%dma_start3A_198, %dma_start3A_199, %dma_start3A_200] : memref<4x128x64xf32, #tpu.memory_space<vmem>> -> memref<1x128x64xf32, #tpu.memory_space<vmem>>
        %dma_start3A_202 = tpu.memref_squeeze %dma_start3A_201 : memref<1x128x64xf32, #tpu.memory_space<vmem>> -> memref<128x64xf32, #tpu.memory_space<vmem>>
        %dma_start3A_203 = arith.constant 0 : i32
        %dma_start3A_204 = tpu.memref_slice %arg5[%add3A_160, %dma_start3A_203] : memref<200x128xi32, #tpu.memory_space<vmem>> -> memref<1x128xi32, #tpu.memory_space<vmem>>
        %dma_start3A_205 = tpu.memref_squeeze %dma_start3A_204 : memref<1x128xi32, #tpu.memory_space<vmem>> -> memref<128xi32, #tpu.memory_space<vmem>>
        %dma_start3A_206 = arith.constant 0 : i32
        %dma_start3A_207 = arith.constant 0 : i32
        %dma_start3A_208 = tpu.memref_slice %arg3[%dma_start3A_206, %dma_start3A_207] : memref<1015808x64xf32, #tpu.memory_space<hbm>> -> memref<1015808x64xf32, #tpu.memory_space<hbm>>
        tpu.enqueue_indirect_dma source(%dma_start3A_208 : memref<1015808x64xf32, #tpu.memory_space<hbm>>) target(%dma_start3A_202 : memref<128x64xf32, #tpu.memory_space<vmem>>) offsets(%dma_start3A_205 : memref<128xi32, #tpu.memory_space<vmem>>) semaphore(%arg10 : memref<!tpu.dma_semaphore, #tpu.memory_space<semaphore_mem>>)
      } else {
      }
      %mul3A_166 = arith.constant 4 : i32
      %mul3A_167 = arith.muli %scan3A_73, %mul3A_166 : i32
      %add3A_168 = arith.constant 3 : i32
      %add3A_169 = arith.addi %mul3A_167, %add3A_168 : i32
      %dma_wait3A_170 = arith.constant 3 : i32
      %dma_wait3A_171 = arith.constant 0 : i32
      %dma_wait3A_172 = arith.constant 0 : i32
      %dma_wait3A_173 = tpu.memref_slice %arg6[%dma_wait3A_170, %dma_wait3A_171, %dma_wait3A_172] : memref<4x128x64xf32, #tpu.memory_space<vmem>> -> memref<1x128x64xf32, #tpu.memory_space<vmem>>
      %dma_wait3A_174 = tpu.memref_squeeze %dma_wait3A_173 : memref<1x128x64xf32, #tpu.memory_space<vmem>> -> memref<128x64xf32, #tpu.memory_space<vmem>>
      %dma_wait3A_175 = arith.constant 0 : i32
      %dma_wait3A_176 = arith.constant 0 : i32
      %dma_wait3A_177 = tpu.memref_slice %arg3[%dma_wait3A_175, %dma_wait3A_176] : memref<1015808x64xf32, #tpu.memory_space<hbm>> -> memref<128x64xf32, #tpu.memory_space<hbm>>
      %dma_wait3A_178 = arith.constant 0 : i32
      %dma_wait3A_179 = arith.constant 0 : i32
      %dma_wait3A_180 = tpu.memref_slice %arg6[%dma_wait3A_170, %dma_wait3A_178, %dma_wait3A_179] : memref<4x128x64xf32, #tpu.memory_space<vmem>> -> memref<1x128x64xf32, #tpu.memory_space<vmem>>
      %dma_wait3A_181 = tpu.memref_squeeze %dma_wait3A_180 : memref<1x128x64xf32, #tpu.memory_space<vmem>> -> memref<128x64xf32, #tpu.memory_space<vmem>>
      %dma_wait3A_182 = arith.constant 0 : i32
      %dma_wait3A_183 = arith.constant 0 : i32
      %dma_wait3A_184 = tpu.memref_slice %arg3[%dma_wait3A_182, %dma_wait3A_183] : memref<1015808x64xf32, #tpu.memory_space<hbm>> -> memref<128x64xf32, #tpu.memory_space<hbm>>
      tpu.wait_dma2 semaphore(%arg11 : memref<!tpu.dma_semaphore, #tpu.memory_space<semaphore_mem>>) src(%dma_wait3A_184 : memref<128x64xf32, #tpu.memory_space<hbm>>) dst(%dma_wait3A_181 : memref<128x64xf32, #tpu.memory_space<vmem>>)
      %scan3A_185 = arith.constant 0 : i32
      %scan3A_186 = arith.constant 0 : i32
      %scan3A_187 = arith.constant 128 : i32
      %scan3A_188 = arith.addi %scan3A_186, %scan3A_187 : i32
      %scan3A_189 = arith.constant 1 : i32
      scf.for %scan3A_198 = %scan3A_186 to %scan3A_188 step %scan3A_189  : i32 {
        %get3A = arith.constant 3 : i32
        %get3A_199 = arith.index_cast %get3A : i32 to index
        %get3A_200 = arith.index_cast %scan3A_198 : i32 to index
        %get3A_201 = arith.constant 0 : index
        %get3A_202 = tpu.vector_load %arg6[%get3A_199, %get3A_200, %get3A_201] {strides = array<i32>} : memref<4x128x64xf32, #tpu.memory_space<vmem>>, vector<1x1x16xf32>,
        %get3A_203 = vector.shape_cast %get3A_202 : vector<1x1x16xf32> to vector<16xf32>
        %swap3A = arith.index_cast %scan3A_198 : i32 to index
        %swap3A_204 = arith.constant 0 : index
        %swap3A_205 = tpu.vector_load %arg7[%swap3A, %swap3A_204] {strides = array<i32>} : memref<128x64xf32, #tpu.memory_space<vmem>>, vector<1x16xf32>,
        %swap3A_206 = vector.shape_cast %swap3A_205 : vector<1x16xf32> to vector<16xf32>
        %swap3A_207 = vector.shape_cast %get3A_203 : vector<16xf32> to vector<1x16xf32>
        tpu.vector_store %arg7[%swap3A, %swap3A_204], %swap3A_207 {add = true, strides = array<i32>} : memref<128x64xf32, #tpu.memory_space<vmem>>, vector<1x16xf32>,
        %get3A_208 = arith.constant 3 : i32
        %get3A_209 = arith.index_cast %get3A_208 : i32 to index
        %get3A_210 = arith.index_cast %scan3A_198 : i32 to index
        %get3A_211 = arith.constant 16 : index
        %get3A_212 = tpu.vector_load %arg6[%get3A_209, %get3A_210, %get3A_211] {strides = array<i32>} : memref<4x128x64xf32, #tpu.memory_space<vmem>>, vector<1x1x16xf32>,
        %get3A_213 = vector.shape_cast %get3A_212 : vector<1x1x16xf32> to vector<16xf32>
        %swap3A_214 = arith.index_cast %scan3A_198 : i32 to index
        %swap3A_215 = arith.constant 16 : index
        %swap3A_216 = tpu.vector_load %arg7[%swap3A_214, %swap3A_215] {strides = array<i32>} : memref<128x64xf32, #tpu.memory_space<vmem>>, vector<1x16xf32>,
        %swap3A_217 = vector.shape_cast %swap3A_216 : vector<1x16xf32> to vector<16xf32>
        %swap3A_218 = vector.shape_cast %get3A_213 : vector<16xf32> to vector<1x16xf32>
        tpu.vector_store %arg7[%swap3A_214, %swap3A_215], %swap3A_218 {add = true, strides = array<i32>} : memref<128x64xf32, #tpu.memory_space<vmem>>, vector<1x16xf32>,
        %get3A_219 = arith.constant 3 : i32
        %get3A_220 = arith.index_cast %get3A_219 : i32 to index
        %get3A_221 = arith.index_cast %scan3A_198 : i32 to index
        %get3A_222 = arith.constant 32 : index
        %get3A_223 = tpu.vector_load %arg6[%get3A_220, %get3A_221, %get3A_222] {strides = array<i32>} : memref<4x128x64xf32, #tpu.memory_space<vmem>>, vector<1x1x16xf32>,
        %get3A_224 = vector.shape_cast %get3A_223 : vector<1x1x16xf32> to vector<16xf32>
        %swap3A_225 = arith.index_cast %scan3A_198 : i32 to index
        %swap3A_226 = arith.constant 32 : index
        %swap3A_227 = tpu.vector_load %arg7[%swap3A_225, %swap3A_226] {strides = array<i32>} : memref<128x64xf32, #tpu.memory_space<vmem>>, vector<1x16xf32>,
        %swap3A_228 = vector.shape_cast %swap3A_227 : vector<1x16xf32> to vector<16xf32>
        %swap3A_229 = vector.shape_cast %get3A_224 : vector<16xf32> to vector<1x16xf32>
        tpu.vector_store %arg7[%swap3A_225, %swap3A_226], %swap3A_229 {add = true, strides = array<i32>} : memref<128x64xf32, #tpu.memory_space<vmem>>, vector<1x16xf32>,
        %get3A_230 = arith.constant 3 : i32
        %get3A_231 = arith.index_cast %get3A_230 : i32 to index
        %get3A_232 = arith.index_cast %scan3A_198 : i32 to index
        %get3A_233 = arith.constant 48 : index
        %get3A_234 = tpu.vector_load %arg6[%get3A_231, %get3A_232, %get3A_233] {strides = array<i32>} : memref<4x128x64xf32, #tpu.memory_space<vmem>>, vector<1x1x16xf32>,
        %get3A_235 = vector.shape_cast %get3A_234 : vector<1x1x16xf32> to vector<16xf32>
        %swap3A_236 = arith.index_cast %scan3A_198 : i32 to index
        %swap3A_237 = arith.constant 48 : index
        %swap3A_238 = tpu.vector_load %arg7[%swap3A_236, %swap3A_237] {strides = array<i32>} : memref<128x64xf32, #tpu.memory_space<vmem>>, vector<1x16xf32>,
        %swap3A_239 = vector.shape_cast %swap3A_238 : vector<1x16xf32> to vector<16xf32>
        %swap3A_240 = vector.shape_cast %get3A_235 : vector<16xf32> to vector<1x16xf32>
        tpu.vector_store %arg7[%swap3A_236, %swap3A_237], %swap3A_240 {add = true, strides = array<i32>} : memref<128x64xf32, #tpu.memory_space<vmem>>, vector<1x16xf32>,
      }
      %scan3A_190 = arith.constant 128 : i32
      %add3A_191 = arith.constant 4 : i32
      %add3A_192 = arith.addi %add3A_169, %add3A_191 : i32
      %lt3A_193 = arith.constant 200 : i32
      %lt3A_194 = arith.cmpi slt, %add3A_192, %lt3A_193 : i32
      %convert_element_type3A_195 = arith.extui %lt3A_194 : i1 to i32
      %cond3A_196 = arith.constant 0 : i32
      %cond3A_197 = arith.cmpi ne, %convert_element_type3A_195, %cond3A_196 : i32
      scf.if %cond3A_197 {
        %dma_start3A_198 = arith.constant 3 : i32
        %dma_start3A_199 = arith.constant 0 : i32
        %dma_start3A_200 = arith.constant 0 : i32
        %dma_start3A_201 = tpu.memref_slice %arg6[%dma_start3A_198, %dma_start3A_199, %dma_start3A_200] : memref<4x128x64xf32, #tpu.memory_space<vmem>> -> memref<1x128x64xf32, #tpu.memory_space<vmem>>
        %dma_start3A_202 = tpu.memref_squeeze %dma_start3A_201 : memref<1x128x64xf32, #tpu.memory_space<vmem>> -> memref<128x64xf32, #tpu.memory_space<vmem>>
        %dma_start3A_203 = arith.constant 0 : i32
        %dma_start3A_204 = tpu.memref_slice %arg5[%add3A_192, %dma_start3A_203] : memref<200x128xi32, #tpu.memory_space<vmem>> -> memref<1x128xi32, #tpu.memory_space<vmem>>
        %dma_start3A_205 = tpu.memref_squeeze %dma_start3A_204 : memref<1x128xi32, #tpu.memory_space<vmem>> -> memref<128xi32, #tpu.memory_space<vmem>>
        %dma_start3A_206 = arith.constant 0 : i32
        %dma_start3A_207 = arith.constant 0 : i32
        %dma_start3A_208 = tpu.memref_slice %arg3[%dma_start3A_206, %dma_start3A_207] : memref<1015808x64xf32, #tpu.memory_space<hbm>> -> memref<1015808x64xf32, #tpu.memory_space<hbm>>
        tpu.enqueue_indirect_dma source(%dma_start3A_208 : memref<1015808x64xf32, #tpu.memory_space<hbm>>) target(%dma_start3A_202 : memref<128x64xf32, #tpu.memory_space<vmem>>) offsets(%dma_start3A_205 : memref<128xi32, #tpu.memory_space<vmem>>) semaphore(%arg11 : memref<!tpu.dma_semaphore, #tpu.memory_space<semaphore_mem>>)
      } else {
      }
    }
    %scan3A_66 = arith.constant 50 : i32
    %scan3A_67 = arith.constant 0 : i32
    %scan3A_68 = arith.constant 0 : i32
    %scan3A_69 = arith.constant 128 : i32
    %scan3A_70 = arith.addi %scan3A_68, %scan3A_69 : i32
    %scan3A_71 = arith.constant 1 : i32
    scf.for %scan3A_73 = %scan3A_68 to %scan3A_70 step %scan3A_71  : i32 {
      %get3A = arith.index_cast %scan3A_73 : i32 to index
      %get3A_74 = arith.constant 0 : index
      %get3A_75 = tpu.vector_load %arg7[%get3A, %get3A_74] {strides = array<i32>} : memref<128x64xf32, #tpu.memory_space<vmem>>, vector<1x16xf32>,
      %get3A_76 = vector.shape_cast %get3A_75 : vector<1x16xf32> to vector<16xf32>
      %mul3A_77 = arith.constant 5.000000e-03 : f32
      %mul3A_78 = vector.broadcast %mul3A_77 : f32 to vector<16xf32>
      %mul3A_79 = arith.mulf %get3A_76, %mul3A_78 : vector<16xf32>
      %swap3A = arith.index_cast %scan3A_73 : i32 to index
      %swap3A_80 = arith.constant 0 : index
      %swap3A_81 = tpu.vector_load %arg7[%swap3A, %swap3A_80] {strides = array<i32>} : memref<128x64xf32, #tpu.memory_space<vmem>>, vector<1x16xf32>,
      %swap3A_82 = vector.shape_cast %swap3A_81 : vector<1x16xf32> to vector<16xf32>
      %swap3A_83 = vector.shape_cast %mul3A_79 : vector<16xf32> to vector<1x16xf32>
      tpu.vector_store %arg7[%swap3A, %swap3A_80], %swap3A_83 {strides = array<i32>} : memref<128x64xf32, #tpu.memory_space<vmem>>, vector<1x16xf32>,
      %get3A_84 = arith.index_cast %scan3A_73 : i32 to index
      %get3A_85 = arith.constant 16 : index
      %get3A_86 = tpu.vector_load %arg7[%get3A_84, %get3A_85] {strides = array<i32>} : memref<128x64xf32, #tpu.memory_space<vmem>>, vector<1x16xf32>,
      %get3A_87 = vector.shape_cast %get3A_86 : vector<1x16xf32> to vector<16xf32>
      %mul3A_88 = arith.constant 5.000000e-03 : f32
      %mul3A_89 = vector.broadcast %mul3A_88 : f32 to vector<16xf32>
      %mul3A_90 = arith.mulf %get3A_87, %mul3A_89 : vector<16xf32>
      %swap3A_91 = arith.index_cast %scan3A_73 : i32 to index
      %swap3A_92 = arith.constant 16 : index
      %swap3A_93 = tpu.vector_load %arg7[%swap3A_91, %swap3A_92] {strides = array<i32>} : memref<128x64xf32, #tpu.memory_space<vmem>>, vector<1x16xf32>,
      %swap3A_94 = vector.shape_cast %swap3A_93 : vector<1x16xf32> to vector<16xf32>
      %swap3A_95 = vector.shape_cast %mul3A_90 : vector<16xf32> to vector<1x16xf32>
      tpu.vector_store %arg7[%swap3A_91, %swap3A_92], %swap3A_95 {strides = array<i32>} : memref<128x64xf32, #tpu.memory_space<vmem>>, vector<1x16xf32>,
      %get3A_96 = arith.index_cast %scan3A_73 : i32 to index
      %get3A_97 = arith.constant 32 : index
      %get3A_98 = tpu.vector_load %arg7[%get3A_96, %get3A_97] {strides = array<i32>} : memref<128x64xf32, #tpu.memory_space<vmem>>, vector<1x16xf32>,
      %get3A_99 = vector.shape_cast %get3A_98 : vector<1x16xf32> to vector<16xf32>
      %mul3A_100 = arith.constant 5.000000e-03 : f32
      %mul3A_101 = vector.broadcast %mul3A_100 : f32 to vector<16xf32>
      %mul3A_102 = arith.mulf %get3A_99, %mul3A_101 : vector<16xf32>
      %swap3A_103 = arith.index_cast %scan3A_73 : i32 to index
      %swap3A_104 = arith.constant 32 : index
      %swap3A_105 = tpu.vector_load %arg7[%swap3A_103, %swap3A_104] {strides = array<i32>} : memref<128x64xf32, #tpu.memory_space<vmem>>, vector<1x16xf32>,
      %swap3A_106 = vector.shape_cast %swap3A_105 : vector<1x16xf32> to vector<16xf32>
      %swap3A_107 = vector.shape_cast %mul3A_102 : vector<16xf32> to vector<1x16xf32>
      tpu.vector_store %arg7[%swap3A_103, %swap3A_104], %swap3A_107 {strides = array<i32>} : memref<128x64xf32, #tpu.memory_space<vmem>>, vector<1x16xf32>,
      %get3A_108 = arith.index_cast %scan3A_73 : i32 to index
      %get3A_109 = arith.constant 48 : index
      %get3A_110 = tpu.vector_load %arg7[%get3A_108, %get3A_109] {strides = array<i32>} : memref<128x64xf32, #tpu.memory_space<vmem>>, vector<1x16xf32>,
      %get3A_111 = vector.shape_cast %get3A_110 : vector<1x16xf32> to vector<16xf32>
      %mul3A_112 = arith.constant 5.000000e-03 : f32
      %mul3A_113 = vector.broadcast %mul3A_112 : f32 to vector<16xf32>
      %mul3A_114 = arith.mulf %get3A_111, %mul3A_113 : vector<16xf32>
      %swap3A_115 = arith.index_cast %scan3A_73 : i32 to index
      %swap3A_116 = arith.constant 48 : index
      %swap3A_117 = tpu.vector_load %arg7[%swap3A_115, %swap3A_116] {strides = array<i32>} : memref<128x64xf32, #tpu.memory_space<vmem>>, vector<1x16xf32>,
      %swap3A_118 = vector.shape_cast %swap3A_117 : vector<1x16xf32> to vector<16xf32>
      %swap3A_119 = vector.shape_cast %mul3A_114 : vector<16xf32> to vector<1x16xf32>
      tpu.vector_store %arg7[%swap3A_115, %swap3A_116], %swap3A_119 {strides = array<i32>} : memref<128x64xf32, #tpu.memory_space<vmem>>, vector<1x16xf32>,
    }
    %scan3A_72 = arith.constant 128 : i32
    "tpu.region"() ({
      %run_scoped3A = tpu.sem_alloc : memref<!tpu.dma_semaphore, #tpu.memory_space<semaphore_mem>>
      %dma_start3A_73 = arith.constant 0 : i32
      %dma_start3A_74 = tpu.memref_slice %arg4[%mul3A_2, %dma_start3A_73] : memref<4096x64xf32, #tpu.memory_space<hbm>> -> memref<128x64xf32, #tpu.memory_space<hbm>>
      %dma_start3A_75 = arith.constant 0 : i32
      %dma_start3A_76 = tpu.memref_slice %arg4[%mul3A_2, %dma_start3A_75] : memref<4096x64xf32, #tpu.memory_space<hbm>> -> memref<128x64xf32, #tpu.memory_space<hbm>>
      tpu.enqueue_dma source(%arg7 : memref<128x64xf32, #tpu.memory_space<vmem>>) target(%dma_start3A_76 : memref<128x64xf32, #tpu.memory_space<hbm>>) target_semaphore(%run_scoped3A : memref<!tpu.dma_semaphore, #tpu.memory_space<semaphore_mem>>)
      %dma_wait3A = arith.constant 0 : i32
      %dma_wait3A_77 = tpu.memref_slice %arg4[%mul3A_2, %dma_wait3A] : memref<4096x64xf32, #tpu.memory_space<hbm>> -> memref<128x64xf32, #tpu.memory_space<hbm>>
      %dma_wait3A_78 = arith.constant 0 : i32
      %dma_wait3A_79 = tpu.memref_slice %arg4[%mul3A_2, %dma_wait3A_78] : memref<4096x64xf32, #tpu.memory_space<hbm>> -> memref<128x64xf32, #tpu.memory_space<hbm>>
      tpu.wait_dma2 semaphore(%run_scoped3A : memref<!tpu.dma_semaphore, #tpu.memory_space<semaphore_mem>>) src(%arg7 : memref<128x64xf32, #tpu.memory_space<vmem>>) dst(%dma_wait3A_79 : memref<128x64xf32, #tpu.memory_space<hbm>>)
      tpu.yield
    }) : () -> ()
    return
  }
}

module attributes {stable_mosaic.version = 14 : i64} {
  func.func @_tpack_body(%arg0: i32, %arg1: memref<64x32768xf32, #tpu.memory_space<vmem>>, %arg2: memref<16384x128xf32, #tpu.memory_space<vmem>>) attributes {dimension_semantics = [#tpu.dimension_semantics<arbitrary>], iteration_bounds = array<i64: 31>, scalar_prefetch = 0 : i64, scratch_operands = 0 : i64, tpu.core_type = #tpu.core_type<tc>, window_params = [{transform_indices = @transform_0, window_bounds = array<i64: 64, 32768>}, {transform_indices = @transform_1, window_bounds = array<i64: 16384, 128>}]} {
    %get3A = arith.constant 0 : index
    %get3A_0 = arith.constant 0 : index
    %get3A_1 = vector.load %arg1[%get3A, %get3A_0] : memref<64x32768xf32, #tpu.memory_space<vmem>>, vector<64x32768xf32>
    %slice3A = vector.extract_strided_slice %get3A_1 {offsets = [0, 0], sizes = [64, 16384], strides = [1, 1]} : vector<64x32768xf32> to vector<64x16384xf32>
    %slice3A_2 = vector.extract_strided_slice %get3A_1 {offsets = [0, 16384], sizes = [64, 16384], strides = [1, 1]} : vector<64x32768xf32> to vector<64x16384xf32>
    %concatenate3A = tpu.concatenate %slice3A, %slice3A_2 in 0 : vector<64x16384xf32>, vector<64x16384xf32> -> vector<128x16384xf32>
    %transpose3A = tpu.transpose %concatenate3A, [1, 0] : vector<128x16384xf32> -> vector<16384x128xf32>
    %swap3A = arith.constant 0 : index
    %swap3A_3 = arith.constant 0 : index
    %swap3A_4 = vector.load %arg2[%swap3A, %swap3A_3] : memref<16384x128xf32, #tpu.memory_space<vmem>>, vector<16384x128xf32>
    tpu.vector_store %arg2[%swap3A, %swap3A_3], %transpose3A {strides = array<i32>} : memref<16384x128xf32, #tpu.memory_space<vmem>>, vector<16384x128xf32>,
    return
  }
  func.func @transform_0(%arg0: i32) -> (i32, i32) {
    %c0_i32 = arith.constant 0 : i32
    %c0_i32_0 = arith.constant 0 : i32
    return %c0_i32, %arg0 : i32, i32
  }
  func.func @transform_1(%arg0: i32) -> (i32, i32) {
    %c0_i32 = arith.constant 0 : i32
    %c0_i32_0 = arith.constant 0 : i32
    return %arg0, %c0_i32 : i32, i32
  }
}

module attributes {stable_mosaic.version = 14 : i64} {
  func.func @_mlp_body(%arg0: memref<4096x64xf32, #tpu.memory_space<vmem>>, %arg1: memref<64x128xf32, #tpu.memory_space<vmem>>, %arg2: memref<1x128xf32, #tpu.memory_space<vmem>>, %arg3: memref<128x2xf32, #tpu.memory_space<vmem>>, %arg4: memref<1x2xf32, #tpu.memory_space<vmem>>, %arg5: memref<4096x2xf32, #tpu.memory_space<vmem>>) attributes {dimension_semantics = [], scalar_prefetch = 0 : i64, scratch_operands = 0 : i64, tpu.core_type = #tpu.core_type<tc>} {
    %get3A = arith.constant 0 : index
    %get3A_0 = arith.constant 0 : index
    %get3A_1 = vector.load %arg0[%get3A, %get3A_0] : memref<4096x64xf32, #tpu.memory_space<vmem>>, vector<4096x64xf32>
    %get3A_2 = arith.constant 0 : index
    %get3A_3 = arith.constant 0 : index
    %get3A_4 = vector.load %arg1[%get3A_2, %get3A_3] : memref<64x128xf32, #tpu.memory_space<vmem>>, vector<64x128xf32>
    %dot_general3A = arith.constant dense<0.000000e+00> : vector<4096x128xf32>
    %dot_general3A_5 = tpu.matmul %get3A_1, %get3A_4, %dot_general3A {dimension_numbers = #tpu.dot_dimension_numbers<[1], [0], [0], [1], [0, 0, 1, 1], [], []>, transpose_lhs_hint = false} : vector<4096x64xf32>, vector<64x128xf32>, vector<4096x128xf32> -> vector<4096x128xf32>
    %get3A_6 = arith.constant 0 : index
    %get3A_7 = arith.constant 0 : index
    %get3A_8 = vector.load %arg2[%get3A_6, %get3A_7] : memref<1x128xf32, #tpu.memory_space<vmem>>, vector<1x128xf32>
    %add3A = vector.broadcast %get3A_8 : vector<1x128xf32> to vector<4096x128xf32>
    %add3A_9 = arith.addf %dot_general3A_5, %add3A : vector<4096x128xf32>
    %max3A = arith.constant 0.000000e+00 : f32
    %max3A_10 = vector.broadcast %max3A : f32 to vector<4096x128xf32>
    %max3A_11 = arith.maximumf %add3A_9, %max3A_10 : vector<4096x128xf32>
    %get3A_12 = arith.constant 0 : index
    %get3A_13 = arith.constant 0 : index
    %get3A_14 = vector.load %arg3[%get3A_12, %get3A_13] : memref<128x2xf32, #tpu.memory_space<vmem>>, vector<128x2xf32>
    %dot_general3A_15 = arith.constant dense<0.000000e+00> : vector<4096x2xf32>
    %dot_general3A_16 = tpu.matmul %max3A_11, %get3A_14, %dot_general3A_15 {dimension_numbers = #tpu.dot_dimension_numbers<[1], [0], [0], [1], [0, 0, 1, 1], [], []>, transpose_lhs_hint = false} : vector<4096x128xf32>, vector<128x2xf32>, vector<4096x2xf32> -> vector<4096x2xf32>
    %get3A_17 = arith.constant 0 : index
    %get3A_18 = arith.constant 0 : index
    %get3A_19 = vector.load %arg4[%get3A_17, %get3A_18] : memref<1x2xf32, #tpu.memory_space<vmem>>, vector<1x2xf32>
    %add3A_20 = vector.broadcast %get3A_19 : vector<1x2xf32> to vector<4096x2xf32>
    %add3A_21 = arith.addf %dot_general3A_16, %add3A_20 : vector<4096x2xf32>
    %swap3A = arith.constant 0 : index
    %swap3A_22 = arith.constant 0 : index
    %swap3A_23 = vector.load %arg5[%swap3A, %swap3A_22] : memref<4096x2xf32, #tpu.memory_space<vmem>>, vector<4096x2xf32>
    tpu.vector_store %arg5[%swap3A, %swap3A_22], %add3A_21 {strides = array<i32>} : memref<4096x2xf32, #tpu.memory_space<vmem>>, vector<4096x2xf32>,
    return
  }
}

</mosaic_0001>

<sc_bundles>
// kernel: kernel.5.cloned.1.call-start
scs
__scs_entry_jumppad:
0x0: {  	(pc) =	sbr.rel $0x88, $3  }
0x1: {  	(tag) =	ssettag $0x0;
	lr =	simm.s32 $0x1  }
0x2: {  	[smem:$0x3F9B] =	sst lr;
	_ =	strace $0xD0000000  }
0x3: {  	_ = 	snop  }
0x4: {  	_ = 	snop  }
0x5: {  	_ = 	snop  }
0x6: {  	_ = 	snop  }
0x7: {  	_ = 	snop  }
__scs_overlays_trampoline_lowered:
0x8: {  	[smem:$0x3FAA] =	sst s0  }
0x9: {  	[smem:$0x3FAB] =	sst s1  }
0xa: {  	[smem:$0x3FAC] =	sst s2  }
0xb: {  	[smem:$0x3FAD] =	sst s3  }
0xc: {  	[smem:$0x3FAE] =	sst s4  }
0xd: {  	[smem:$0x3FAF] =	sst s5  }
0xe: {  	[smem:$0x3FB0] =	sst s6  }
0xf: {  	[smem:$0x3FB1] =	sst s7  }
0x10: {  	[smem:$0x3FB2] =	sst s8  }
0x11: {  	[smem:$0x3FB3] =	sst s9;
	s0 =	simm.s32 @!p0 $0x0  }
0x12: {  	s1 =	sld [smem:$0x3F99];
	s0 =	simm.s32 @p0 $0x1  }
0x13: {  	[smem:$0x3FB4] =	sst s0;
	s0 =	simm.s32 @!p1 $0x0  }
0x14: {  	s2 =	sld [smem:$0x3F98];
	s0 =	simm.s32 @p1 $0x1  }
0x15: {  	[smem:$0x3FB5] =	sst s0;
	s0 =	simm.s32 @!p2 $0x0  }
0x16: {  	s3 =	sld [smem:$0x3FDB];
	s0 =	simm.s32 @p2 $0x1  }
0x17: {  	s4 =	simm.s32 $0x1BF5;
	[smem:$0x3FB7] =	sst s0  }
0x18: {  	s0 =	sld [smem:$0x3F9A];
	_ =	swait.ge [sflag:s4], $0x0  }
0x19: {  	s7 =	sld [smem:$0x3F9B]  }
0x1a: {  	s8 =	sadd.s32 $0xFFFFE003, lr  }
0x1b: {  	s9 =	sadd.s32 $0xFFFFFEF7, lr;
	s5 =	simm.s32 $0xFFFFFFFF;
	p2 =	slt.u32 s8, $0xFFFFF086  }
0x1c: {  	p1 =	slt.u32 s9, $0xF7A;
	s5 =	simm.s32 @!p2 $0x0  }
0x1d: {  	s5 =	simm.s32 @p1 $0x1;
	p0 =	seq.s32 s7, s2  }
0x1e: {  	s7 =	smul.u32 @!p0 $0xF7A, s2;
	p2 =	seq.s32 @!p0 s5, $0x0  }
0x1f: {  	s9 =	smul.u32 $0xF7A, s1;
	s8 =	simm.s32 @!p0 $0x1BF5;
	p2 =	por !p2, p0  }
0x20: {  	[sflag:s8] =	ssyncset.s32 @!p0 $0xFFFFF086;
	s6 =	sadd.s32 @!p0 s3, s7;
	s7 =	simm.s32 @!p0 $0x108  }
0x21: {  	s3 =	sadd.s32 s3, s9;
	s6 =	sadd.s32 @!p0 $0x88, s6;
	s7 =	simm.s32 @p2 $0x1082  }
0x22: {  	[simem:s7], [sflag:s8] =	dma.local @!p0 [hbm:s6], $0xF7A  }
0x23: {  	s9 =	sor.u32 $0xD0000000, s2;
	s6 =	simm.s32 $0x108;
	_ =	swait.ge @!p0 [sflag:s8], $0x0  }
0x24: {  	s3 =	sadd.s32 $0x88, s3;
	s6 =	simm.s32 @!p1 $0x1082;
	[sflag:s4] =	ssyncset.s32 $0xFFFFF086  }
0x25: {  	[simem:s6], [sflag:s4] =	dma.local [hbm:s3], $0xF7A  }
0x26: {  	[smem:$0x3F9B] =	sst s1;
	(tag) =	ssettag s2;
	_ =	strace s9  }
0x27: {  	s1 =	sld [smem:$0x3FAB]  }
0x28: {  	s2 =	sld [smem:$0x3FAC]  }
0x29: {  	s4 =	sld [smem:$0x3FAE]  }
0x2a: {  	p0 =	seq.s32 s5, $0x0;
	s5 =	sld [smem:$0x3FAF]  }
0x2b: {  	s6 =	sld [smem:$0x3FB0]  }
0x2c: {  	s7 =	sld [smem:$0x3FB1]  }
0x2d: {  	s3 =	simm.s32 $0x108;
	s8 =	sld [smem:$0x3FB2]  }
0x2e: {  	s3 =	simm.s32 @!p0 $0x1082;
	s9 =	sld [smem:$0x3FB3]  }
0x2f: {  	lr =	sadd.s32 s0, s3;
	s0 =	sld [smem:$0x3FAA]  }
0x30: {  	s3 =	sld [smem:$0x3FAD]  }
0x31: {  	[smem:$0x3FB6] =	sst s10  }
0x32: {  	s10 =	sld [smem:$0x3FB4];
	_ =	sdelay $0x3  }
0x33: {  	p0 =	seq.s32 s10, $0x1;
	s10 =	sld [smem:$0x3FB6];
	_ =	sdelay $0x3  }
0x34: {  	[smem:$0x3FB6] =	sst s10  }
0x35: {  	s10 =	sld [smem:$0x3FB5];
	_ =	sdelay $0x3  }
0x36: {  	p1 =	seq.s32 s10, $0x1;
	s10 =	sld [smem:$0x3FB6];
	_ =	sdelay $0x3  }
0x37: {  	[smem:$0x3FB6] =	sst s10  }
0x38: {  	s10 =	sld [smem:$0x3FB7]  }
0x39: {  	_ = 	snop;
	(pc) =	sbr.ind lr, $3  }
0x3a: {  	_ = 	snop  }
0x3b: {  	_ = 	snop  }
0x3c: {  	p2 =	seq.s32 s10, $0x1;
	s10 =	sld [smem:$0x3FB6]  }
0x3d: {  	_ =	shalt  }
0x3e: {  	_ =	shalt  }
0x3f: {  	_ =	shalt  }
0x40: {  	_ =	shalt  }
0x41: {  	_ =	shalt  }
0x42: {  	_ =	shalt  }
0x43: {  	_ =	shalt  }
0x44: {  	_ =	shalt  }
0x45: {  	_ =	shalt  }
0x46: {  	_ =	shalt  }
0x47: {  	_ =	shalt  }
0x48: {  	_ =	shalt  }
0x49: {  	_ =	shalt  }
0x4a: {  	_ =	shalt  }
0x4b: {  	_ =	shalt  }
0x4c: {  	_ =	shalt  }
0x4d: {  	_ =	shalt  }
0x4e: {  	_ =	shalt  }
0x4f: {  	_ =	shalt  }
0x50: {  	_ =	shalt  }
0x51: {  	_ =	shalt  }
0x52: {  	_ =	shalt  }
0x53: {  	_ =	shalt  }
0x54: {  	_ =	shalt  }
0x55: {  	_ =	shalt  }
0x56: {  	_ =	shalt  }
0x57: {  	_ =	shalt  }
0x58: {  	_ =	shalt  }
0x59: {  	_ =	shalt  }
0x5a: {  	_ =	shalt  }
0x5b: {  	_ =	shalt  }
0x5c: {  	_ =	shalt  }
0x5d: {  	_ =	shalt  }
0x5e: {  	_ =	shalt  }
0x5f: {  	_ =	shalt  }
0x60: {  	_ =	shalt  }
0x61: {  	_ =	shalt  }
0x62: {  	_ =	shalt  }
0x63: {  	_ =	shalt  }
0x64: {  	_ =	shalt  }
0x65: {  	_ =	shalt  }
0x66: {  	_ =	shalt  }
0x67: {  	_ =	shalt  }
0x68: {  	_ =	shalt  }
0x69: {  	_ =	shalt  }
0x6a: {  	_ =	shalt  }
0x6b: {  	_ =	shalt  }
0x6c: {  	_ =	shalt  }
0x6d: {  	_ =	shalt  }
0x6e: {  	_ =	shalt  }
0x6f: {  	_ =	shalt  }
0x70: {  	_ =	shalt  }
0x71: {  	_ =	shalt  }
0x72: {  	_ =	shalt  }
0x73: {  	_ =	shalt  }
0x74: {  	_ =	shalt  }
0x75: {  	_ =	shalt  }
0x76: {  	_ =	shalt  }
0x77: {  	_ =	shalt  }
0x78: {  	_ =	shalt  }
0x79: {  	_ =	shalt  }
0x7a: {  	_ =	shalt  }
0x7b: {  	_ =	shalt  }
0x7c: {  	_ =	shalt  }
0x7d: {  	_ =	shalt  }
0x7e: {  	_ =	shalt  }
0x7f: {  	_ =	shalt  }
0x80: {  	_ =	shalt  }
0x81: {  	_ =	shalt  }
0x82: {  	_ =	shalt  }
0x83: {  	_ =	shalt  }
0x84: {  	_ =	shalt  }
0x85: {  	_ =	shalt  }
0x86: {  	_ =	shalt  }
0x87: {  	_ =	shalt  }
.Lfunc_end0:
.L_simem_size_0:
called_computation_lowered:
.L_overlay_start_0:
0x88: {  	s2 =	sld [smem:$0x3FD9]  }
0x89: {  	s3 =	sld [smem:$0x3FFE];
	_ =	sdelay $0x1  }
0x8a: {  	s1 =	srdreg.scid  }
0x8b: {  	s0 =	sand.u32 $0x1, s1  }
0x8c: {  	s16 =	sshll.u32 s0, $0xA;
	s2 =	sadd.s32 s3, s2  }
0x8d: {  	s2 =	sadd.s32 s2, s16  }
0x8e: {  	[smem:$0x3FC2] =	sst s2  }
0x8f: {  	_ = 	snop  }
0x90: {  	(tm) =	ssettm $0x1  }
0x91: {  	s17 =	sld [smem:$0x3FFB];
	_ =	sdelay $0x3  }
0x92: {  	_ =	strace s17  }
0x93: {  	s2 =	sld [smem:$0x3FFC];
	_ =	sdelay $0x3  }
0x94: {  	_ =	strace s2  }
0x95: {  	s2 =	sld [smem:$0x3FFD];
	_ =	sdelay $0x3  }
0x96: {  	_ =	strace s2  }
0x97: {  	_ =	strace $0x8FFFFFFF  }
0x98: {  	s18 =	sld [smem:$0x3FDB];
	_ =	sdelay $0x1  }
0x99: {  	s19 =	simm.s32 $_scs_section_size  }
0x9a: {  	s4 =	simm.s32 $_size__tile_overlayer_lowered;
	s5 =	simm.s32 $_tile_overlayer_lowered  }
0x9b: {  	s22 =	simm.s32 $0x1BFF;
	s21 =	sshll.u32 s5, $0x1;
	s2 =	sadd.s32 s19, s18  }
0x9c: {  	s6 =	simm.s32 $0x0;
	s20 =	sshll.u32 s4, $0x1;
	s4 =	sadd.s32 s21, s2  }
0x9d: {  	[timem:s6], [sflag:s22] =	dma.local [hbm:s4], s20  }
0x9e: {  	_ =	swait.ge [sflag:s22], s20  }
0x9f: {  	s3 =	ssub.s32 $0x0, s20;
	[sflag:s22] =	ssyncset.done $0x0  }
0xa0: {  	[sflag:s22] =	ssyncadd.s32 s3;
	_ =	sdelay $0x1  }
0xa1: {  	s23 =	simm.s32 $0x1B8B  }
0xa2: {  	_ =	swait.ge [sflag:s23], $0x1  }
0xa3: {  	[sflag:s23] =	ssyncset.done $0x0  }
0xa4: {  	s25 =	simm.s32 $0x1B8E;
	s24 =	sld [smem:$0x3FFE];
	[sflag:s23] =	ssyncadd.s32 $0xFFFFFFFF  }
0xa5: {  	s26 =	simm.s32 $execute0_lowered;
	[smem:$0x3FD2] =	sst s25  }
0xa6: {  	s4 =	sshll.u32 s26, $0x1;
	_ =	strace $0x80000046;
	[dreg:$0x1] =	wrdreg $0xFFFFFFFF  }
0xa7: {  	s28 =	simm.s32 $_size_execute0_lowered;
	s2 =	sadd.s32 s2, s4;
	[dreg:$0x0] =	wrdreg $0x0  }
0xa8: {  	s4 =	sshll.u32 s28, $0x1;
	[dreg:$0x2] =	wrdreg s2  }
0xa9: {  	[dreg:$0x3] =	wrdreg s4  }
0xaa: {  	[dreg:$0x4] =	wrdreg $0xC0  }
0xab: {  	_ =	task [dreg:s6], $0x5FFFF  }
0xac: {  	[dreg:$0x1] =	wrdreg $0xFFFFFFFF  }
0xad: {  	[dreg:$0x0] =	wrdreg $0x60  }
0xae: {  	[dreg:$0x2] =	wrdreg s24  }
0xaf: {  	[dreg:$0x3] =	wrdreg $0x9  }
0xb0: {  	_ =	task.clear_ibuf [dreg:s6], $0x4FFFF;
	_ =	strace $0x90000046  }
0xb1: {  	s29 =	simm.s32 $0x9;
	_ =	strace $0x80000048  }
0xb2: {  	_ =	swait.ge [sflag:s29], $0x1  }
0xb3: {  	[sflag:s29] =	ssyncadd.s32 $0xFFFFFFFF  }
0xb4: {  	_ =	strace $0x90000048  }
0xb5: {  	_ =	sfence  }
0xb6: {  	s30 =	sld [smem:$0x0];
	_ =	sdelay $0x2  }
0xb7: {  	s31 =	sshll.u32 s1, $0xD;
	s1 =	sshrl.u32 s1, $0x2  }
0xb8: {  	s3 =	sand.u32 $0x4000, s31;
	s1 =	sadd.s32 s1, s30  }
0xb9: {  	s0 =	sor.u32 s3, s0;
	s1 =	sshll.u32 s1, $0x11  }
0xba: {  	s0 =	sor.u32 s1, s0  }
0xbb: {  	s0 =	sadd.s32 $0x8F2B, s0  }
0xbc: {  	[sflag:s0] =	ssyncadd.remote.s32 $0x1  }
0xbd: {  	_ =	sfence.sel $0xFFFF  }
0xbe: {  	[dreg:$0x0] =	wrdreg $0xFFFFFFFF;
	(pc) =	sbr.abs _section_cstart, $3  }
0xbf: {  	[dreg:$0x1] =	wrdreg $0xFFFFFFFF  }
0xc0: {  	_ =	task.clear_ibuf [dreg:s6], $0x2FFFF;
	_ =	strace $0x9FFFFFFF  }
0xc1: {  	(tm) =	ssettm $0x7FFFFFFF  }
tec
execute0_lowered:
.L_overlay_start_1:
0x0: {  	(tag) =	ssettag $0x1  }
0x1: {  	s4 =	rddreg [dreg:$0x0];
	s2 =	srdreg.scid  }
0x2: {  	s0 =	rddreg [dreg:$0x1];
	s1 =	stileid.u32  }
0x3: {  	s9 =	simm.s32 $0x5;
	s10 =	simm.s32 $0x6400;
	s11 =	simm.s32 $0x8400  }
0x4: {  	s12 =	simm.s32 $0x100;
	s13 =	simm.s32 $0xA400;
	s14 =	simm.s32 $0x180  }
0x5: {  	s15 =	simm.s32 $0xC400;
	s16 =	simm.s32 $0x1;
	s17 =	simm.s32 $0x2  }
0x6: {  	s18 =	simm.s32 $0x3;
	s19 =	simm.s32 $0x4;
	s20 =	simm.s32 $0xE400  }
0x7: {  	s21 =	simm.s32 $0x0;
	s3 =	sand.u32 $0x1, s2;
	s2 =	simm.s32 $0x0  }
0x8: {  	s5 =	sshll.u32 s1, $0x8;
	s6 =	sshll.u32 s3, $0x7;
	[smem:$0x7FF] =	sst s2  }
0x9: {  	s7 =	ssub.s32 $0x2, s3;
	s3 =	sadd.s32 $0xE00, s4;
	s5 =	sor.u32 s6, s5  }
0xa: {  	_ =	strace $0x80000047;
	s8 =	sshrl.u32 s7, $0x1;
	s6 =	sshrl.u32 s5, $0x3  }
0xb: {  	s5 =	sshll.u32 s5, $0x3;
	s7 =	ssub.s32 s7, s8;
	s6 =	sadd.s32 s6, s4  }
0xc: {  	s8 =	simm.s32 $0x1000;
	s5 =	sadd.s32 s5, s4;
	s4 =	sadd.s32 $0x7C0E00, s6  }
0xd: {  	v0 =	vimm.s32 $0x0;
	v1 =	vimm.f32 $0.0e+00;
	s5 =	sadd.s32 $0x7D9E00, s5;
	s6 =	smax.u32 s7, $0x1;
	s7 =	simm.s32 $0x80  }
.LBB2_1:
0xe: {  	[tilespmem:s2], [sflag:$0x5] =	stream.strided.gather [hbm4b:s4+s7], $0x6400, s8, s7, $0x38;
	[tilespmem:$0x10400] =	vst v63  }
0xf: {  	_ =	swait.ge [sflag:s9], $0x6400  }
0x10: {  	[sflag:s9] =	ssyncset.done $0x0  }
0x11: {  	s22 =	simm.s32 $0x0;
	[sflag:s9] =	ssyncadd.s32 $0xFFFF9C00  }
0x12: {  	v2 =	vld [tilespmem:s22+$0x0]  }
0x13: {  	v3 =	vld [tilespmem:s22+$0x10]  }
0x14: {  	v8 =	vld [tilespmem:s22+$0x20];
	_ =	sdelay $0x2  }
0x15: {  	v4 =	vld [tilespmem:s22+$0x30];
	v5 =	vand.u32 $0x7FFF, v2  }
0x16: {  	v6 =	vand.u32 $0x7FFF, v3;
	vm0 =	vgt.u32 v5, $0x3FFF;
	v2 =	vadd.s32 v2, v5;
	v5 =	vld [tilespmem:s22+$0x40]  }
0x17: {  	v10 =	vand.u32 $0x7FFF, v8;
	vm14 =	vgt.u32 v6, $0x3FFF  }
0x18: {  	v6 =	vadd.s32 v3, v6;
	v3 =	vld [tilespmem:s22+$0x50];
	v7 =	vsel vm0, $0xFFFF8001, v0;
	v9 =	vsel vm14, $0xFFFF8001, v0  }
0x19: {  	vm15 =	vgt.u32 v10, $0x3FFF;
	v7 =	vadd.s32 v7, v2;
	v6 =	vadd.s32 v9, v6  }
0x1a: {  	s23 =	simm.s32 $0x200;
	v9 =	vadd.s32 v8, v10;
	v10 =	vsel vm15, $0xFFFF8001, v0;
	v8 =	vand.u32 $0x7FFF, v4;
	v2 =	vld [tilespmem:s22+$0x60]  }
.LBB2_2:
0x1b: {  	p0 =	sne.s32 s23, $0x18E00;
	v9 =	vadd.s32 v10, v9;
	vm0 =	vgt.u32 v8, $0x3FFF;
	v10 =	vand.u32 $0x7FFF, v5;
	v11 =	vld [tilespmem:s22+$0x70]  }
0x1c: {  	v4 =	vadd.s32 v4, v8;
	v8 =	vsel vm0, $0xFFFF8001, v0;
	vm0 =	vgt.u32 v10, $0x3FFF  }
0x1d: {  	s24 =	sshra.s32 s23, $0x2;
	v5 =	vadd.s32 v5, v10;
	[tilespmem:s22+$0x0] =	vst v7;
	v7 =	vsel vm0, $0xFFFF8001, v0;
	v10 =	vand.u32 $0x7FFF, v3  }
0x1e: {  	v4 =	vadd.s32 v8, v4;
	v12 =	vld [tilespmem:s24+$0x0];
	[tilespmem:s22+$0x10] =	vst v6;
	v5 =	vadd.s32 v7, v5;
	vm0 =	vgt.u32 v10, $0x3FFF  }
0x1f: {  	v3 =	vadd.s32 v3, v10;
	v6 =	vld [tilespmem:s24+$0x10];
	[tilespmem:s22+$0x20] =	vst v9;
	v7 =	vsel vm0, $0xFFFF8001, v0;
	v8 =	vand.u32 $0x7FFF, v2  }
0x20: {  	[tilespmem:s22+$0x30] =	vst v4;
	v3 =	vadd.s32 v7, v3;
	vm0 =	vgt.u32 v8, $0x3FFF;
	v4 =	vand.u32 $0x7FFF, v11  }
0x21: {  	v2 =	vadd.s32 v2, v8;
	v9 =	vld [tilespmem:s24+$0x20];
	[tilespmem:s22+$0x40] =	vst v5;
	v5 =	vsel vm0, $0xFFFF8001, v0;
	vm0 =	vgt.u32 v4, $0x3FFF  }
0x22: {  	[tilespmem:s22+$0x50] =	vst v3;
	v2 =	vadd.s32 v5, v2;
	v3 =	vadd.s32 v11, v4;
	v5 =	vsel vm0, $0xFFFF8001, v0  }
0x23: {  	v7 =	vand.u32 $0x7FFF, v12;
	v4 =	vld [tilespmem:s24+$0x30];
	[tilespmem:s22+$0x60] =	vst v2;
	v2 =	vadd.s32 v5, v3  }
.Ltmp0:
0x24: {  	vm0 =	vgt.u32 v7, $0x3FFF;
	v3 =	vand.u32 $0x7FFF, v6;
	v5 =	vld [tilespmem:s24+$0x40];
	[tilespmem:s22+$0x70] =	vst v2;
	s22 =	smov.u32 s24;
	(pc) =	sbr.rel @p0 .LBB2_2-.Ltmp0, $4  }
0x25: {  	v2 =	vadd.s32 v12, v7;
	v7 =	vsel vm0, $0xFFFF8001, v0;
	vm0 =	vgt.u32 v3, $0x3FFF  }
0x26: {  	v6 =	vadd.s32 v6, v3;
	v8 =	vsel vm0, $0xFFFF8001, v0;
	v10 =	vand.u32 $0x7FFF, v9;
	v3 =	vld [tilespmem:s22+$0x50]  }
0x27: {  	v7 =	vadd.s32 v7, v2;
	v6 =	vadd.s32 v8, v6;
	vm0 =	vgt.u32 v10, $0x3FFF  }
0x28: {  	s23 =	sadd.s32 $0x200, s23;
	v9 =	vadd.s32 v9, v10;
	v10 =	vsel vm0, $0xFFFF8001, v0;
	v8 =	vand.u32 $0x7FFF, v4;
	v2 =	vld [tilespmem:s22+$0x60]  }
0x29: {  	v9 =	vadd.s32 v10, v9;
	vm0 =	vgt.u32 v8, $0x3FFF;
	v55 =	vand.u32 $0x7FFF, v5;
	v11 =	vld [tilespmem:s22+$0x70]  }
0x2a: {  	v4 =	vadd.s32 v4, v8;
	v56 =	vsel vm0, $0xFFFF8001, v0;
	vm12 =	vgt.u32 v55, $0x3FFF  }
0x2b: {  	[tilespmem:s22+$0x0] =	vst v7;
	v5 =	vadd.s32 v5, v55;
	v57 =	vsel vm12, $0xFFFF8001, v0;
	v58 =	vand.u32 $0x7FFF, v3  }
0x2c: {  	[tilespmem:s22+$0x10] =	vst v6;
	v4 =	vadd.s32 v56, v4;
	v5 =	vadd.s32 v57, v5;
	vm13 =	vgt.u32 v58, $0x3FFF  }
0x2d: {  	[tilespmem:s22+$0x20] =	vst v9;
	v3 =	vadd.s32 v3, v58;
	v59 =	vsel vm13, $0xFFFF8001, v0;
	v60 =	vand.u32 $0x7FFF, v2  }
0x2e: {  	[tilespmem:s22+$0x30] =	vst v4;
	v3 =	vadd.s32 v59, v3;
	vm14 =	vgt.u32 v60, $0x3FFF;
	v61 =	vand.u32 $0x7FFF, v11  }
0x2f: {  	[tilespmem:s22+$0x40] =	vst v5;
	v2 =	vadd.s32 v2, v60;
	v62 =	vsel vm14, $0xFFFF8001, v0;
	vm15 =	vgt.u32 v61, $0x3FFF  }
0x30: {  	[tilespmem:s22+$0x50] =	vst v3;
	v3 =	vadd.s32 v11, v61;
	v2 =	vadd.s32 v62, v2;
	v63 =	vsel vm15, $0xFFFF8001, v0  }
0x31: {  	[tilespmem:s22+$0x60] =	vst v2;
	v2 =	vadd.s32 v63, v3  }
0x32: {  	s23 =	simm.s32 $0x100;
	[tilespmem:s22+$0x70] =	vst v2;
	s22 =	simm.s32 $0x0  }
.LBB2_4:
0x33: {  	p0 =	sne.s32 s23, $0x7F00;
	[tilespmem:s22+$0xE430] =	vst v1;
	s24 =	smov.u32 s23;
	s23 =	sadd.s32 $0x100, s23  }
.Ltmp1:
0x34: {  	[tilespmem:s22+$0xE420] =	vst v1;
	(pc) =	sbr.rel @p0 .LBB2_4-.Ltmp1, $3  }
0x35: {  	[tilespmem:s22+$0xE400] =	vst v1  }
0x36: {  	[tilespmem:s22+$0xE410] =	vst v1;
	_ =	sdelay $0x1  }
0x37: {  	s22 =	sshra.s32 s24, $0x2  }
0x38: {  	[tilespmem:s22+$0xE430] =	vst v1  }
0x39: {  	[tilespmem:s22+$0xE420] =	vst v1  }
0x3a: {  	[tilespmem:s22+$0xE400] =	vst v1  }
0x3b: {  	[tilespmem:s22+$0xE410] =	vst v1;
	s22 =	simm.s32 $0x0  }
0x3c: {  	[tilespmem:s10], [sflag:$0x1] =	stream.indirect.gather [hbm4b:s3+s7], $0x40, s22, s7, $0xb8;
	[tilespmem:$0x10400] =	vst v63  }
0x3d: {  	_ = 	snop  }
0x3e: {  	[tilespmem:s11], [sflag:$0x2] =	stream.indirect.gather [hbm4b:s3+s7], $0x40, s7, s7, $0xb8;
	[tilespmem:$0x10400] =	vst v63  }
0x3f: {  	_ = 	snop  }
0x40: {  	[tilespmem:s13], [sflag:$0x3] =	stream.indirect.gather [hbm4b:s3+s7], $0x40, s12, s7, $0xb8;
	[tilespmem:$0x10400] =	vst v63  }
0x41: {  	_ = 	snop  }
0x42: {  	[tilespmem:s15], [sflag:$0x4] =	stream.indirect.gather [hbm4b:s3+s7], $0x40, s14, s7, $0xb8;
	[tilespmem:$0x10400] =	vst v63  }
.LBB2_6:
0x43: {  	_ =	swait.ge [sflag:s16], $0x2000  }
0x44: {  	[sflag:s16] =	ssyncset.done $0x0  }
0x45: {  	s23 =	simm.s32 $0x0;
	[sflag:s16] =	ssyncadd.s32 $0xFFFFE000  }
0x46: {  	v3 =	vld [tilespmem:s23+$0x6430]  }
0x47: {  	v4 =	vld [tilespmem:s23+$0x6400]  }
0x48: {  	v5 =	vld [tilespmem:s23+$0x6410]  }
0x49: {  	v2 =	vld [tilespmem:s23+$0x6420];
	_ =	sdelay $0x1  }
0x4a: {  	[tilespmem:s23+$0xE430] =	vst.add.f32.msk $0xffff, v3  }
0x4b: {  	[tilespmem:s23+$0xE400] =	vst.add.f32.msk $0xffff, v4  }
0x4c: {  	s25 =	simm.s32 $0x40;
	s24 =	simm.s32 $0x200;
	[tilespmem:s23+$0xE410] =	vst.add.f32.msk $0xffff, v5  }
.LBB2_7:
0x4d: {  	p0 =	sne.s32 s24, $0x7F00;
	v3 =	vld [tilespmem:s25+$0x6430];
	v4 =	vmov v2  }
0x4e: {  	v5 =	vld [tilespmem:s25+$0x6400]  }
0x4f: {  	v6 =	vld [tilespmem:s25+$0x6410]  }
.Ltmp2:
0x50: {  	v2 =	vld [tilespmem:s25+$0x6420];
	(pc) =	sbr.rel @p0 .LBB2_7-.Ltmp2, $4  }
0x51: {  	[tilespmem:s23+$0xE420] =	vst.add.f32.msk $0xffff, v4;
	s23 =	smov.u32 s25  }
0x52: {  	[tilespmem:s23+$0xE430] =	vst.add.f32.msk $0xffff, v3  }
0x53: {  	[tilespmem:s23+$0xE400] =	vst.add.f32.msk $0xffff, v5  }
0x54: {  	s25 =	sshra.s32 s24, $0x2;
	s24 =	sadd.s32 $0x100, s24;
	[tilespmem:s23+$0xE410] =	vst.add.f32.msk $0xffff, v6  }
0x55: {  	v3 =	vld [tilespmem:s25+$0x6430]  }
0x56: {  	v4 =	vld [tilespmem:s25+$0x6400]  }
0x57: {  	v5 =	vld [tilespmem:s25+$0x6410]  }
0x58: {  	v6 =	vld [tilespmem:s25+$0x6420]  }
0x59: {  	[tilespmem:s23+$0xE420] =	vst.add.f32.msk $0xffff, v2  }
0x5a: {  	[tilespmem:s25+$0xE430] =	vst.add.f32.msk $0xffff, v3  }
0x5b: {  	s23 =	sshll.u32 s22, $0xB;
	p0 =	seq.s32 s22, $0x31;
	[tilespmem:s25+$0xE400] =	vst.add.f32.msk $0xffff, v4  }
0x5c: {  	s24 =	sshrl.u32 @!p0 s23, $0x2;
	[tilespmem:s25+$0xE410] =	vst.add.f32.msk $0xffff, v5  }
0x5d: {  	s26 =	simm.s32 @!p0 $0x80;
	s28 =	simm.s32 @!p0 $0x6400;
	[tilespmem:s25+$0xE420] =	vst.add.f32.msk $0xffff, v6;
	s25 =	sadd.s32 @!p0 $0x200, s24  }
0x5e: {  	[tilespmem:s28], [sflag:$0x1] =	stream.indirect.gather @!p0 [hbm4b:s3+s26], $0x40, s25, s26, $0xb8;
	[tilespmem:$0x10400] =	vst v63  }
0x5f: {  	_ =	swait.ge [sflag:s17], $0x2000  }
0x60: {  	[sflag:s17] =	ssyncset.done $0x0  }
0x61: {  	s25 =	simm.s32 $0x0;
	[sflag:s17] =	ssyncadd.s32 $0xFFFFE000  }
0x62: {  	v3 =	vld [tilespmem:s25+$0x8430]  }
0x63: {  	v62 =	vld [tilespmem:s25+$0x8400]  }
0x64: {  	v63 =	vld [tilespmem:s25+$0x8410]  }
0x65: {  	v2 =	vld [tilespmem:s25+$0x8420];
	_ =	sdelay $0x1  }
0x66: {  	[tilespmem:s25+$0xE430] =	vst.add.f32.msk $0xffff, v3  }
0x67: {  	[tilespmem:s25+$0xE400] =	vst.add.f32.msk $0xffff, v62  }
0x68: {  	s26 =	simm.s32 $0x40;
	s28 =	simm.s32 $0x200;
	[tilespmem:s25+$0xE410] =	vst.add.f32.msk $0xffff, v63  }
.LBB2_9:
0x69: {  	p1 =	sne.s32 s28, $0x7F00;
	v3 =	vld [tilespmem:s26+$0x8430];
	v4 =	vmov v2  }
0x6a: {  	v5 =	vld [tilespmem:s26+$0x8400]  }
0x6b: {  	v6 =	vld [tilespmem:s26+$0x8410]  }
.Ltmp3:
0x6c: {  	v2 =	vld [tilespmem:s26+$0x8420];
	(pc) =	sbr.rel @p1 .LBB2_9-.Ltmp3, $4  }
0x6d: {  	[tilespmem:s25+$0xE420] =	vst.add.f32.msk $0xffff, v4;
	s25 =	smov.u32 s26  }
0x6e: {  	[tilespmem:s25+$0xE430] =	vst.add.f32.msk $0xffff, v3  }
0x6f: {  	[tilespmem:s25+$0xE400] =	vst.add.f32.msk $0xffff, v5  }
0x70: {  	s26 =	sshra.s32 s28, $0x2;
	s28 =	sadd.s32 $0x100, s28;
	[tilespmem:s25+$0xE410] =	vst.add.f32.msk $0xffff, v6  }
0x71: {  	v3 =	vld [tilespmem:s26+$0x8430]  }
0x72: {  	v4 =	vld [tilespmem:s26+$0x8400]  }
0x73: {  	v5 =	vld [tilespmem:s26+$0x8410]  }
0x74: {  	v6 =	vld [tilespmem:s26+$0x8420]  }
0x75: {  	[tilespmem:s25+$0xE420] =	vst.add.f32.msk $0xffff, v2  }
0x76: {  	[tilespmem:s26+$0xE430] =	vst.add.f32.msk $0xffff, v3  }
0x77: {  	[tilespmem:s26+$0xE400] =	vst.add.f32.msk $0xffff, v4  }
0x78: {  	[tilespmem:s26+$0xE410] =	vst.add.f32.msk $0xffff, v5  }
0x79: {  	s25 =	sadd.s32 @!p0 $0x280, s24;
	s28 =	simm.s32 @!p0 $0x8400;
	[tilespmem:s26+$0xE420] =	vst.add.f32.msk $0xffff, v6;
	s26 =	simm.s32 @!p0 $0x80  }
0x7a: {  	[tilespmem:s28], [sflag:$0x2] =	stream.indirect.gather @!p0 [hbm4b:s3+s26], $0x40, s25, s26, $0xb8;
	[tilespmem:$0x10400] =	vst v63  }
0x7b: {  	_ =	swait.ge [sflag:s18], $0x2000  }
0x7c: {  	[sflag:s18] =	ssyncset.done $0x0  }
0x7d: {  	s25 =	simm.s32 $0x0;
	[sflag:s18] =	ssyncadd.s32 $0xFFFFE000  }
0x7e: {  	v3 =	vld [tilespmem:s25+$0xA430]  }
0x7f: {  	v62 =	vld [tilespmem:s25+$0xA400]  }
0x80: {  	v63 =	vld [tilespmem:s25+$0xA410]  }
0x81: {  	v2 =	vld [tilespmem:s25+$0xA420];
	_ =	sdelay $0x1  }
0x82: {  	[tilespmem:s25+$0xE430] =	vst.add.f32.msk $0xffff, v3  }
0x83: {  	[tilespmem:s25+$0xE400] =	vst.add.f32.msk $0xffff, v62  }
0x84: {  	s26 =	simm.s32 $0x40;
	s28 =	simm.s32 $0x200;
	[tilespmem:s25+$0xE410] =	vst.add.f32.msk $0xffff, v63  }
.LBB2_11:
0x85: {  	p1 =	sne.s32 s28, $0x7F00;
	v3 =	vld [tilespmem:s26+$0xA430];
	v4 =	vmov v2  }
0x86: {  	v5 =	vld [tilespmem:s26+$0xA400]  }
0x87: {  	v6 =	vld [tilespmem:s26+$0xA410]  }
.Ltmp4:
0x88: {  	v2 =	vld [tilespmem:s26+$0xA420];
	(pc) =	sbr.rel @p1 .LBB2_11-.Ltmp4, $4  }
0x89: {  	[tilespmem:s25+$0xE420] =	vst.add.f32.msk $0xffff, v4;
	s25 =	smov.u32 s26  }
0x8a: {  	[tilespmem:s25+$0xE430] =	vst.add.f32.msk $0xffff, v3  }
0x8b: {  	[tilespmem:s25+$0xE400] =	vst.add.f32.msk $0xffff, v5  }
0x8c: {  	s26 =	sshra.s32 s28, $0x2;
	s28 =	sadd.s32 $0x100, s28;
	[tilespmem:s25+$0xE410] =	vst.add.f32.msk $0xffff, v6  }
0x8d: {  	v3 =	vld [tilespmem:s26+$0xA430]  }
0x8e: {  	v4 =	vld [tilespmem:s26+$0xA400]  }
0x8f: {  	v5 =	vld [tilespmem:s26+$0xA410]  }
0x90: {  	v6 =	vld [tilespmem:s26+$0xA420]  }
0x91: {  	[tilespmem:s25+$0xE420] =	vst.add.f32.msk $0xffff, v2  }
0x92: {  	[tilespmem:s26+$0xE430] =	vst.add.f32.msk $0xffff, v3  }
0x93: {  	[tilespmem:s26+$0xE400] =	vst.add.f32.msk $0xffff, v4  }
0x94: {  	[tilespmem:s26+$0xE410] =	vst.add.f32.msk $0xffff, v5  }
0x95: {  	s24 =	sadd.s32 @!p0 $0x300, s24;
	s25 =	simm.s32 @!p0 $0x80;
	[tilespmem:s26+$0xE420] =	vst.add.f32.msk $0xffff, v6;
	s26 =	simm.s32 @!p0 $0xA400  }
0x96: {  	[tilespmem:s26], [sflag:$0x3] =	stream.indirect.gather @!p0 [hbm4b:s3+s25], $0x40, s24, s25, $0xb8;
	[tilespmem:$0x10400] =	vst v63  }
0x97: {  	_ =	swait.ge [sflag:s19], $0x2000  }
0x98: {  	[sflag:s19] =	ssyncset.done $0x0  }
0x99: {  	s24 =	simm.s32 $0x0;
	[sflag:s19] =	ssyncadd.s32 $0xFFFFE000  }
0x9a: {  	v3 =	vld [tilespmem:s24+$0xC430]  }
0x9b: {  	v62 =	vld [tilespmem:s24+$0xC400]  }
0x9c: {  	v63 =	vld [tilespmem:s24+$0xC410]  }
0x9d: {  	v2 =	vld [tilespmem:s24+$0xC420];
	_ =	sdelay $0x1  }
0x9e: {  	[tilespmem:s24+$0xE430] =	vst.add.f32.msk $0xffff, v3  }
0x9f: {  	[tilespmem:s24+$0xE400] =	vst.add.f32.msk $0xffff, v62  }
0xa0: {  	s25 =	simm.s32 $0x40;
	s26 =	simm.s32 $0x200;
	[tilespmem:s24+$0xE410] =	vst.add.f32.msk $0xffff, v63  }
.LBB2_13:
0xa1: {  	p1 =	sne.s32 s26, $0x7F00;
	v3 =	vld [tilespmem:s25+$0xC430];
	v4 =	vmov v2  }
0xa2: {  	v5 =	vld [tilespmem:s25+$0xC400]  }
0xa3: {  	v6 =	vld [tilespmem:s25+$0xC410]  }
.Ltmp5:
0xa4: {  	v2 =	vld [tilespmem:s25+$0xC420];
	(pc) =	sbr.rel @p1 .LBB2_13-.Ltmp5, $4  }
0xa5: {  	[tilespmem:s24+$0xE420] =	vst.add.f32.msk $0xffff, v4;
	s24 =	smov.u32 s25  }
0xa6: {  	[tilespmem:s24+$0xE430] =	vst.add.f32.msk $0xffff, v3  }
0xa7: {  	[tilespmem:s24+$0xE400] =	vst.add.f32.msk $0xffff, v5  }
0xa8: {  	s25 =	sshra.s32 s26, $0x2;
	s26 =	sadd.s32 $0x100, s26;
	[tilespmem:s24+$0xE410] =	vst.add.f32.msk $0xffff, v6  }
0xa9: {  	v3 =	vld [tilespmem:s25+$0xC430]  }
0xaa: {  	v4 =	vld [tilespmem:s25+$0xC400]  }
0xab: {  	v5 =	vld [tilespmem:s25+$0xC410]  }
0xac: {  	v6 =	vld [tilespmem:s25+$0xC420]  }
.Ltmp6:
0xad: {  	[tilespmem:s24+$0xE420] =	vst.add.f32.msk $0xffff, v2;
	(pc) =	sbr.rel @p0 .LBB2_16-.Ltmp6, $4  }
0xae: {  	[tilespmem:s25+$0xE430] =	vst.add.f32.msk $0xffff, v3  }
0xaf: {  	[tilespmem:s25+$0xE400] =	vst.add.f32.msk $0xffff, v4  }
0xb0: {  	[tilespmem:s25+$0xE410] =	vst.add.f32.msk $0xffff, v5  }
0xb1: {  	[tilespmem:s25+$0xE420] =	vst.add.f32.msk $0xffff, v6  }
.Ltmp7:
0xb2: {  	(pc) =	sbr.rel .LBB2_6-.Ltmp7, $4  }
0xb3: {  	_ = 	snop  }
0xb4: {  	s23 =	sshrl.u32 s23, $0x2  }
0xb5: {  	s22 =	sadd.s32 $0x1, s22;
	s23 =	sadd.s32 $0x380, s23  }
0xb6: {  	[tilespmem:s15], [sflag:$0x4] =	stream.indirect.gather [hbm4b:s3+s7], $0x40, s23, s7, $0xb8;
	[tilespmem:$0x10400] =	vst v63  }
.LBB2_16:
0xb7: {  	s22 =	simm.s32 $0x0  }
0xb8: {  	v2 =	vld [tilespmem:s22+$0xE400]  }
0xb9: {  	v4 =	vld [tilespmem:s22+$0xE410]  }
0xba: {  	s23 =	simm.s32 $0x100;
	v3 =	vld [tilespmem:s22+$0xE420]  }
.LBB2_17:
0xbb: {  	p0 =	sne.s32 s23, $0x7F00;
	v5 =	vld [tilespmem:s22+$0xE430];
	_ =	sdelay $0x1  }
0xbc: {  	v2 =	vmul.f32 $4.999999890e-03, v2  }
.Ltmp8:
0xbd: {  	v4 =	vmul.f32 $4.999999890e-03, v4;
	(pc) =	sbr.rel @p0 .LBB2_17-.Ltmp8, $4  }
0xbe: {  	s24 =	sshra.s32 s23, $0x2;
	[tilespmem:s22+$0xE400] =	vst v2;
	v3 =	vmul.f32 $4.999999890e-03, v3  }
0xbf: {  	v2 =	vld [tilespmem:s24+$0xE400];
	[tilespmem:s22+$0xE410] =	vst v4;
	v5 =	vmul.f32 $4.999999890e-03, v5  }
0xc0: {  	v4 =	vld [tilespmem:s24+$0xE410];
	[tilespmem:s22+$0xE420] =	vst v3  }
0xc1: {  	s23 =	sadd.s32 $0x100, s23;
	v3 =	vld [tilespmem:s24+$0xE420];
	[tilespmem:s22+$0xE430] =	vst v5;
	s22 =	smov.u32 s24  }
0xc2: {  	v5 =	vld [tilespmem:s22+$0xE430];
	_ =	sdelay $0x1  }
0xc3: {  	v2 =	vmul.f32 $4.999999890e-03, v2  }
0xc4: {  	v4 =	vmul.f32 $4.999999890e-03, v4  }
0xc5: {  	[tilespmem:s22+$0xE400] =	vst v2;
	v2 =	vmul.f32 $4.999999890e-03, v3  }
0xc6: {  	s21 =	sadd.s32 $0x1, s21;
	[tilespmem:s22+$0xE410] =	vst v4;
	v3 =	vmul.f32 $4.999999890e-03, v5  }
0xc7: {  	p0 =	sne.s32 s21, s6;
	[tilespmem:s22+$0xE420] =	vst v2  }
.Ltmp9:
0xc8: {  	[tilespmem:s22+$0xE430] =	vst v3;
	(pc) =	sbr.rel @p0 .LBB2_1-.Ltmp9, $4  }
0xc9: {  	[hbm4b:s5+s2] =	stream.linear.scatter [tilespmem:s20], [sflag:$0x5], $0x2000, $0x38;
	[tilespmem:$0x10400] =	vst v63  }
0xca: {  	_ =	swait.ge [sflag:s9], $0x2000  }
0xcb: {  	[sflag:s9] =	ssyncset.done $0x0  }
0xcc: {  	[sflag:s9] =	ssyncadd.s32 $0xFFFFE000  }
0xcd: {  	_ =	sfence.sel $0x180000  }
0xce: {  	[bflag:$0x0] =	sbarrier.arrive $0xFFFF  }
0xcf: {  	p0 =	sne.s32 s1, $0x0;
	_ =	strace $0x90000047  }
0xd0: {  	s0 =	sadd.s32 @!p0 $0x100000, s0;
	[bflag:$0x2] =	sbarrier.arrive $0xFFFF  }
0xd1: {  	[sflag:s0] =	ssyncadd.tile.s32 @!p0 $0x1;
	_ =	shalt  }
.Lfunc_end2:
_tile_overlayer_lowered:
.L_overlay_start_2:
0xd2: {  	(tag) =	ssettag $0x2  }
0xd3: {  	s0 =	rddreg [dreg:$0x0];
	s2 =	stileid.u32  }
0xd4: {  	s1 =	rddreg [dreg:$0x1];
	p0 =	sne.s32 s2, $0x0  }
0xd5: {  	s3 =	rddreg [dreg:$0x2];
	[bflag:$0x3] =	sbarrier.arrive $0xFFFF;
	s2 =	simm.s32 @!p0 $0x1C05  }
0xd6: {  	[timem:s3], [sflag:s2] =	dma.local @!p0 [hbm:s0], s1  }
0xd7: {  	s0 =	simm.s32 @!p0 $0x5  }
0xd8: {  	_ =	swait.ge @!p0 [sflag:s0], s1  }
0xd9: {  	s1 =	ssub.s32 @!p0 $0x0, s1;
	[sflag:s0] =	ssyncset.done @!p0 $0x0  }
0xda: {  	[sflag:s0] =	ssyncadd.s32 @!p0 s1  }
0xdb: {  	[bflag:$0x3] =	sbarrier.arrive $0xFFFF  }
0xdc: {  	_ =	shalt  }

</sc_bundles>
